<compile_context>
chip_gen: v7x
topology: tpu7x:2x2x1
jax: 0.10.2.dev20260603
libtpu: 0.0.44.dev20260713+nightly
codegen_flags: <defaults>
</compile_context>

<pallas_src>
import functools

import jax
import jax.numpy as jnp
from jax import lax
from jax.experimental import pallas as pl
from jax.experimental.pallas import tpu as pltpu
from jax.experimental.pallas import tpu_sc as plsc

_N = 10000
_NPAD = 10112
_E = 320000
_D1 = 128
_DH = _D1 // 2
_D2 = 16
_C = 128
_NCORES = 2
_NSUB = 16
_ROWS_PER_TILE = _NPAD // _NSUB
_XROWS_PER_TILE = _N // _NSUB

_ROWS_TOTAL = _E // _C
_NCH2 = 78
_PHASES1 = 2
_TAIL = _ROWS_TOTAL - 32 * _NCH2


def _pipeline(table, srcv, dstv, acc, buf0, buf1, sem0, sem1, n_chunks):
  n_pairs = n_chunks // 2
  pltpu.async_copy(table.at[srcv.at[0]], buf0, sem0)

  def body(i, carry):
    j0 = 2 * i
    d1 = pltpu.async_copy(table.at[srcv.at[j0 + 1]], buf1, sem1)
    pltpu.make_async_copy(table.at[srcv.at[j0]], buf0, sem0).wait()
    pltpu.sync_copy(buf0, acc.at[dstv.at[j0]], add=True)
    jpre = jnp.minimum(j0 + 2, n_chunks - 1)
    pltpu.async_copy(table.at[srcv.at[jpre]], buf0, sem0)
    d1.wait()
    pltpu.sync_copy(buf1, acc.at[dstv.at[j0 + 1]], add=True)
    return carry

  lax.fori_loop(0, n_pairs, body, 0)
  pltpu.make_async_copy(table.at[srcv.at[n_chunks - 1]], buf0,
                        sem0).wait()


def _tail_chunk(table, ei_hbm, row, srcv, dstv, acc, buf0, sem0):
  pltpu.sync_copy(ei_hbm.at[0, pl.ds(row, 1)], srcv.at[pl.ds(0, 1)])
  pltpu.sync_copy(ei_hbm.at[1, pl.ds(row, 1)], dstv.at[pl.ds(0, 1)])
  pltpu.async_copy(table.at[srcv.at[0]], buf0, sem0).wait()
  pltpu.sync_copy(buf0, acc.at[dstv.at[0]], add=True)


def _agg1_body(x_hbm, ei_hbm, zeros_hbm, out_hbm,
               xsh, acc, srcv, dstv, buf0, buf1, sem0, sem1):
  c = lax.axis_index("c")
  s = lax.axis_index("s")
  r0 = s * _ROWS_PER_TILE
  pltpu.sync_copy(
      x_hbm.at[pl.ds(s * _XROWS_PER_TILE, _XROWS_PER_TILE),
               pl.ds(c * _DH, _DH)],
      xsh.at[pl.ds(s * _XROWS_PER_TILE, _XROWS_PER_TILE)])
  pltpu.sync_copy(zeros_hbm.at[pl.ds(r0, _ROWS_PER_TILE)],
                  acc.at[pl.ds(r0, _ROWS_PER_TILE)])
  plsc.subcore_barrier()
  for p in range(_PHASES1):
    row0 = s * (_PHASES1 * _NCH2) + p * _NCH2
    pltpu.sync_copy(ei_hbm.at[0, pl.ds(row0, _NCH2)], srcv)
    pltpu.sync_copy(ei_hbm.at[1, pl.ds(row0, _NCH2)], dstv)
    _pipeline(xsh, srcv, dstv, acc, buf0, buf1, sem0, sem1, _NCH2)

  @pl.when(s < _TAIL)
  def _():
    _tail_chunk(xsh, ei_hbm, 32 * _NCH2 + s, srcv, dstv, acc, buf0,
                sem0)

  plsc.subcore_barrier()
  pltpu.sync_copy(acc.at[pl.ds(r0, _ROWS_PER_TILE)],
                  out_hbm.at[c, pl.ds(r0, _ROWS_PER_TILE)])


def _agg2_body(h_hbm, ei_hbm, zeros_hbm, out_hbm,
               hsh, acc, srcv, dstv, buf0, buf1, sem0, sem1):
  c = lax.axis_index("c")
  s = lax.axis_index("s")
  r0 = s * _ROWS_PER_TILE
  pltpu.sync_copy(h_hbm.at[pl.ds(r0, _ROWS_PER_TILE)],
                  hsh.at[pl.ds(r0, _ROWS_PER_TILE)])
  pltpu.sync_copy(zeros_hbm.at[pl.ds(r0, _ROWS_PER_TILE)],
                  acc.at[pl.ds(r0, _ROWS_PER_TILE)])
  t = c * _NSUB + s
  row0 = t * _NCH2
  pltpu.sync_copy(ei_hbm.at[0, pl.ds(row0, _NCH2)], srcv)
  pltpu.sync_copy(ei_hbm.at[1, pl.ds(row0, _NCH2)], dstv)
  plsc.subcore_barrier()
  _pipeline(hsh, srcv, dstv, acc, buf0, buf1, sem0, sem1, _NCH2)

  @pl.when(t < _TAIL)
  def _():
    _tail_chunk(hsh, ei_hbm, 32 * _NCH2 + t, srcv, dstv, acc, buf0,
                sem0)

  plsc.subcore_barrier()
  pltpu.sync_copy(acc.at[pl.ds(r0, _ROWS_PER_TILE)],
                  out_hbm.at[c, pl.ds(r0, _ROWS_PER_TILE)])


@functools.cache
def _build_aggs():
  mesh = plsc.VectorSubcoreMesh(
      core_axis_name="c", subcore_axis_name="s",
      num_cores=_NCORES, num_subcores=_NSUB)
  params = pltpu.CompilerParams(use_tc_tiling_on_sc=False)
  agg1 = pl.kernel(
      _agg1_body,
      out_type=jax.ShapeDtypeStruct((_NCORES, _NPAD, _DH), jnp.float32),
      mesh=mesh,
      scratch_types=[
          pltpu.VMEM_SHARED((_NPAD, _DH), jnp.float32),
          pltpu.VMEM_SHARED((_NPAD, _DH), jnp.float32),
          pltpu.VMEM((_NCH2, _C), jnp.int32),
          pltpu.VMEM((_NCH2, _C), jnp.int32),
          pltpu.VMEM((_C, _DH), jnp.float32),
          pltpu.VMEM((_C, _DH), jnp.float32),
          pltpu.SemaphoreType.DMA,
          pltpu.SemaphoreType.DMA,
      ],
      compiler_params=params)
  agg2 = pl.kernel(
      _agg2_body,
      out_type=jax.ShapeDtypeStruct((_NCORES, _NPAD, _D2), jnp.float32),
      mesh=mesh,
      scratch_types=[
          pltpu.VMEM_SHARED((_NPAD, _D2), jnp.float32),
          pltpu.VMEM_SHARED((_NPAD, _D2), jnp.float32),
          pltpu.VMEM((_NCH2, _C), jnp.int32),
          pltpu.VMEM((_NCH2, _C), jnp.int32),
          pltpu.VMEM((_C, _D2), jnp.float32),
          pltpu.VMEM((_C, _D2), jnp.float32),
          pltpu.SemaphoreType.DMA,
          pltpu.SemaphoreType.DMA,
      ],
      compiler_params=params)
  return agg1, agg2


def _mm_body(a_ref, w1_ref, w2_ref, o_ref):
  wc = jnp.dot(w1_ref[...], w2_ref[...],
               preferred_element_type=jnp.float32)
  rows = lax.broadcasted_iota(jnp.int32, (8 * _DH, 8 * _D2), 0) // _DH
  cols = lax.broadcasted_iota(jnp.int32, (8 * _DH, 8 * _D2), 1) // _D2
  on_diag = rows == cols
  bda = jnp.where(on_diag, jnp.tile(wc[:_DH], (8, 8)), 0.0)
  bdb = jnp.where(on_diag, jnp.tile(wc[_DH:], (8, 8)), 0.0)
  o_ref[...] = (
      jnp.dot(a_ref[0], bda, preferred_element_type=jnp.float32)
      + jnp.dot(a_ref[1], bdb, preferred_element_type=jnp.float32))


_mm = pl.pallas_call(
    _mm_body,
    out_shape=jax.ShapeDtypeStruct((_NPAD // 8, 8 * _D2), jnp.float32))


def _add_body(a_ref, o_ref):
  o_ref[...] = a_ref[0, :_N // 8] + a_ref[1, :_N // 8]


_add = pl.pallas_call(
    _add_body,
    out_shape=jax.ShapeDtypeStruct((_N // 8, 8 * _D2), jnp.float32))


@jax.jit
def kernel(x, edge_index, W1, W2):
  ei3 = edge_index.astype(jnp.int32).reshape(_NCORES, _ROWS_TOTAL, _C)

  _agg1, _agg2 = _build_aggs()
  zeros1 = jnp.zeros((_NPAD, _DH), jnp.float32)
  agg1 = _agg1(x, ei3, zeros1)

  h2 = _mm(agg1.reshape(_NCORES, _NPAD // 8, 8 * _DH), W1, W2)

  zeros2 = jnp.zeros((_NPAD, _D2), jnp.float32)
  parts = _agg2(h2.reshape(_NPAD, _D2), ei3, zeros2)

  out = _add(parts.reshape(_NCORES, _NPAD // 8, 8 * _D2))
  return out.reshape(_N, _D2)

# --- scband reference (transcript-rebuilt; emitter-appended) ---
"""Pipeline reference for scband-net-8718783611320 (READ-ONLY COPY).

The authoritative reference and input builder live on the scoring server;
editing this copy changes nothing except your own understanding.
"""

import jax, jax.numpy as jnp
import numpy as np

N_NODES = 10000
N_EDGES = 320000
D_FEAT = 128
MIDLAYER = 128
N_CLASSES = 16


def setup_inputs(seed: int = 0) -> dict:
    key = jax.random.key(seed)
    k1, k2, k3, k4 = jax.random.split(key, 4)
    x = jax.random.normal(k1, (N_NODES, D_FEAT), dtype=jnp.float32)
    edge_index = jax.random.randint(k2, (2, N_EDGES), 0, N_NODES, dtype=jnp.int64)
    # GCNConv weights: shape [in_channels, out_channels], x @ W
    W1 = jax.random.normal(k3, (D_FEAT, MIDLAYER), dtype=jnp.float32) * (1.0 / np.sqrt(D_FEAT))
    W2 = jax.random.normal(k4, (MIDLAYER, N_CLASSES), dtype=jnp.float32) * (1.0 / np.sqrt(MIDLAYER))
    return {"x": x, "edge_index": edge_index, "W1": W1, "W2": W2}


def _gcn_conv(x, W, src, dst, num_nodes):
    # GCNConv(normalize=False, bias=False): h = x @ W, then sum-aggregate
    # messages h[src] into destination nodes (scatter-add). No self loops,
    # no degree normalization since normalize=False.
    h = x @ W
    out = jax.ops.segment_sum(h[src], dst, num_segments=num_nodes)
    return out


def reference(x, edge_index, W1, W2):
    src = edge_index[0]
    dst = edge_index[1]
    n = x.shape[0]
    h = _gcn_conv(x, W1, src, dst, n)
    h = _gcn_conv(h, W2, src, dst, n)
    return h

if __name__ == "__main__":
    import jax
    _d = setup_inputs()
    print(jax.jit(kernel)(*tuple(_d.values())))

</pallas_src>

<mosaic_0001>
#map = affine_map<(d0, d1) -> (0, 0)>
#map1 = affine_map<(d0, d1) -> (0, 0, 0)>
module attributes {stable_mosaic.version = 14 : i64} {
  func.func @_agg1_body(%arg0: i32, %arg1: i32, %arg2: memref<10000x128xf32, #tpu.memory_space<hbm>>, %arg3: memref<2x2500x128xi32, #tpu.memory_space<hbm>>, %arg4: memref<10112x64xf32, #tpu.memory_space<hbm>>, %arg5: memref<2x10112x64xf32, #tpu.memory_space<hbm>>, %arg6: memref<10112x64xf32, #tpu.memory_space<vmem_shared>>, %arg7: memref<10112x64xf32, #tpu.memory_space<vmem_shared>>, %arg8: memref<78x128xi32, #tpu.memory_space<vmem>>, %arg9: memref<78x128xi32, #tpu.memory_space<vmem>>, %arg10: memref<128x64xf32, #tpu.memory_space<vmem>>, %arg11: memref<128x64xf32, #tpu.memory_space<vmem>>, %arg12: memref<!tpu.dma_semaphore, #tpu.memory_space<semaphore_mem>>, %arg13: memref<!tpu.dma_semaphore, #tpu.memory_space<semaphore_mem>>) attributes {dimension_semantics = [#tpu.dimension_semantics<core_parallel>, #tpu.dimension_semantics<subcore_parallel>], iteration_bounds = array<i64: 2, 16>, scalar_prefetch = 0 : i64, scratch_operands = 8 : i64, tpu.core_type = #tpu.core_type<sc_vector_subcore>, window_params = [{transform_indices = #map}, {transform_indices = #map1}, {transform_indices = #map}, {transform_indices = #map1}]} {
    %mul3A = arith.constant 632 : i32
    %mul3A_0 = arith.muli %arg1, %mul3A : i32
    %mul3A_1 = arith.constant 625 : i32
    %mul3A_2 = arith.muli %arg1, %mul3A_1 : i32
    %mul3A_3 = arith.constant 64 : i32
    %mul3A_4 = arith.muli %arg0, %mul3A_3 : i32
    %mul3A_5 = arith.constant 625 : i32
    %mul3A_6 = arith.muli %arg1, %mul3A_5 : i32
    "tpu.region"() ({
      %run_scoped3A_57 = tpu.sem_alloc : memref<!tpu.dma_semaphore, #tpu.memory_space<semaphore_mem>>
      %dma_start3A_58 = arith.constant 0 : i32
      %dma_start3A_59 = tpu.memref_slice %arg6[%mul3A_6, %dma_start3A_58] : memref<10112x64xf32, #tpu.memory_space<vmem_shared>> -> memref<625x64xf32, #tpu.memory_space<vmem_shared>>
      %dma_start3A_60 = tpu.memref_slice %arg2[%mul3A_2, %mul3A_4] : memref<10000x128xf32, #tpu.memory_space<hbm>> -> memref<625x64xf32, #tpu.memory_space<hbm>>
      tpu.enqueue_dma source(%dma_start3A_60 : memref<625x64xf32, #tpu.memory_space<hbm>>) target(%dma_start3A_59 : memref<625x64xf32, #tpu.memory_space<vmem_shared>>) target_semaphore(%run_scoped3A_57 : memref<!tpu.dma_semaphore, #tpu.memory_space<semaphore_mem>>)
      %dma_wait3A_61 = arith.constant 0 : i32
      %dma_wait3A_62 = tpu.memref_slice %arg6[%mul3A_6, %dma_wait3A_61] : memref<10112x64xf32, #tpu.memory_space<vmem_shared>> -> memref<625x64xf32, #tpu.memory_space<vmem_shared>>
      %dma_wait3A_63 = tpu.memref_slice %arg2[%mul3A_2, %mul3A_4] : memref<10000x128xf32, #tpu.memory_space<hbm>> -> memref<625x64xf32, #tpu.memory_space<hbm>>
      tpu.wait_dma2 semaphore(%run_scoped3A_57 : memref<!tpu.dma_semaphore, #tpu.memory_space<semaphore_mem>>) src(%dma_wait3A_63 : memref<625x64xf32, #tpu.memory_space<hbm>>) dst(%dma_wait3A_62 : memref<625x64xf32, #tpu.memory_space<vmem_shared>>)
      tpu.yield
    }) : () -> ()
    "tpu.region"() ({
      %run_scoped3A_57 = tpu.sem_alloc : memref<!tpu.dma_semaphore, #tpu.memory_space<semaphore_mem>>
      %dma_start3A_58 = arith.constant 0 : i32
      %dma_start3A_59 = tpu.memref_slice %arg7[%mul3A_0, %dma_start3A_58] : memref<10112x64xf32, #tpu.memory_space<vmem_shared>> -> memref<632x64xf32, #tpu.memory_space<vmem_shared>>
      %dma_start3A_60 = arith.constant 0 : i32
      %dma_start3A_61 = tpu.memref_slice %arg4[%mul3A_0, %dma_start3A_60] : memref<10112x64xf32, #tpu.memory_space<hbm>> -> memref<632x64xf32, #tpu.memory_space<hbm>>
      tpu.enqueue_dma source(%dma_start3A_61 : memref<632x64xf32, #tpu.memory_space<hbm>>) target(%dma_start3A_59 : memref<632x64xf32, #tpu.memory_space<vmem_shared>>) target_semaphore(%run_scoped3A_57 : memref<!tpu.dma_semaphore, #tpu.memory_space<semaphore_mem>>)
      %dma_wait3A_62 = arith.constant 0 : i32
      %dma_wait3A_63 = tpu.memref_slice %arg7[%mul3A_0, %dma_wait3A_62] : memref<10112x64xf32, #tpu.memory_space<vmem_shared>> -> memref<632x64xf32, #tpu.memory_space<vmem_shared>>
      %dma_wait3A_64 = arith.constant 0 : i32
      %dma_wait3A_65 = tpu.memref_slice %arg4[%mul3A_0, %dma_wait3A_64] : memref<10112x64xf32, #tpu.memory_space<hbm>> -> memref<632x64xf32, #tpu.memory_space<hbm>>
      tpu.wait_dma2 semaphore(%run_scoped3A_57 : memref<!tpu.dma_semaphore, #tpu.memory_space<semaphore_mem>>) src(%dma_wait3A_65 : memref<632x64xf32, #tpu.memory_space<hbm>>) dst(%dma_wait3A_63 : memref<632x64xf32, #tpu.memory_space<vmem_shared>>)
      tpu.yield
    }) : () -> ()
    %barrier3A = arith.constant 0 : index
    tpu.barrier barrier_id(%barrier3A)
    %mul3A_7 = arith.constant 156 : i32
    %mul3A_8 = arith.muli %arg1, %mul3A_7 : i32
    %add3A = arith.constant 0 : i32
    %add3A_9 = arith.addi %mul3A_8, %add3A : i32
    %run_scoped3A = arith.constant 0 : i32
    "tpu.region"() ({
      %run_scoped3A_57 = tpu.sem_alloc : memref<!tpu.dma_semaphore, #tpu.memory_space<semaphore_mem>>
      %dma_start3A_58 = arith.constant 0 : i32
      %dma_start3A_59 = tpu.memref_slice %arg3[%run_scoped3A, %add3A_9, %dma_start3A_58] : memref<2x2500x128xi32, #tpu.memory_space<hbm>> -> memref<1x78x128xi32, #tpu.memory_space<hbm>>
      %dma_start3A_60 = tpu.memref_squeeze %dma_start3A_59 : memref<1x78x128xi32, #tpu.memory_space<hbm>> -> memref<78x128xi32, #tpu.memory_space<hbm>>
      %dma_start3A_61 = arith.constant 0 : i32
      %dma_start3A_62 = tpu.memref_slice %arg3[%run_scoped3A, %add3A_9, %dma_start3A_61] : memref<2x2500x128xi32, #tpu.memory_space<hbm>> -> memref<1x78x128xi32, #tpu.memory_space<hbm>>
      %dma_start3A_63 = tpu.memref_squeeze %dma_start3A_62 : memref<1x78x128xi32, #tpu.memory_space<hbm>> -> memref<78x128xi32, #tpu.memory_space<hbm>>
      tpu.enqueue_dma source(%dma_start3A_63 : memref<78x128xi32, #tpu.memory_space<hbm>>) target(%arg8 : memref<78x128xi32, #tpu.memory_space<vmem>>) target_semaphore(%run_scoped3A_57 : memref<!tpu.dma_semaphore, #tpu.memory_space<semaphore_mem>>)
      %dma_wait3A_64 = arith.constant 0 : i32
      %dma_wait3A_65 = tpu.memref_slice %arg3[%run_scoped3A, %add3A_9, %dma_wait3A_64] : memref<2x2500x128xi32, #tpu.memory_space<hbm>> -> memref<1x78x128xi32, #tpu.memory_space<hbm>>
      %dma_wait3A_66 = tpu.memref_squeeze %dma_wait3A_65 : memref<1x78x128xi32, #tpu.memory_space<hbm>> -> memref<78x128xi32, #tpu.memory_space<hbm>>
      %dma_wait3A_67 = arith.constant 0 : i32
      %dma_wait3A_68 = tpu.memref_slice %arg3[%run_scoped3A, %add3A_9, %dma_wait3A_67] : memref<2x2500x128xi32, #tpu.memory_space<hbm>> -> memref<1x78x128xi32, #tpu.memory_space<hbm>>
      %dma_wait3A_69 = tpu.memref_squeeze %dma_wait3A_68 : memref<1x78x128xi32, #tpu.memory_space<hbm>> -> memref<78x128xi32, #tpu.memory_space<hbm>>
      tpu.wait_dma2 semaphore(%run_scoped3A_57 : memref<!tpu.dma_semaphore, #tpu.memory_space<semaphore_mem>>) src(%dma_wait3A_69 : memref<78x128xi32, #tpu.memory_space<hbm>>) dst(%arg8 : memref<78x128xi32, #tpu.memory_space<vmem>>)
      tpu.yield
    }) : () -> ()
    %run_scoped3A_10 = arith.constant 1 : i32
    "tpu.region"() ({
      %run_scoped3A_57 = tpu.sem_alloc : memref<!tpu.dma_semaphore, #tpu.memory_space<semaphore_mem>>
      %dma_start3A_58 = arith.constant 0 : i32
      %dma_start3A_59 = tpu.memref_slice %arg3[%run_scoped3A_10, %add3A_9, %dma_start3A_58] : memref<2x2500x128xi32, #tpu.memory_space<hbm>> -> memref<1x78x128xi32, #tpu.memory_space<hbm>>
      %dma_start3A_60 = tpu.memref_squeeze %dma_start3A_59 : memref<1x78x128xi32, #tpu.memory_space<hbm>> -> memref<78x128xi32, #tpu.memory_space<hbm>>
      %dma_start3A_61 = arith.constant 0 : i32
      %dma_start3A_62 = tpu.memref_slice %arg3[%run_scoped3A_10, %add3A_9, %dma_start3A_61] : memref<2x2500x128xi32, #tpu.memory_space<hbm>> -> memref<1x78x128xi32, #tpu.memory_space<hbm>>
      %dma_start3A_63 = tpu.memref_squeeze %dma_start3A_62 : memref<1x78x128xi32, #tpu.memory_space<hbm>> -> memref<78x128xi32, #tpu.memory_space<hbm>>
      tpu.enqueue_dma source(%dma_start3A_63 : memref<78x128xi32, #tpu.memory_space<hbm>>) target(%arg9 : memref<78x128xi32, #tpu.memory_space<vmem>>) target_semaphore(%run_scoped3A_57 : memref<!tpu.dma_semaphore, #tpu.memory_space<semaphore_mem>>)
      %dma_wait3A_64 = arith.constant 0 : i32
      %dma_wait3A_65 = tpu.memref_slice %arg3[%run_scoped3A_10, %add3A_9, %dma_wait3A_64] : memref<2x2500x128xi32, #tpu.memory_space<hbm>> -> memref<1x78x128xi32, #tpu.memory_space<hbm>>
      %dma_wait3A_66 = tpu.memref_squeeze %dma_wait3A_65 : memref<1x78x128xi32, #tpu.memory_space<hbm>> -> memref<78x128xi32, #tpu.memory_space<hbm>>
      %dma_wait3A_67 = arith.constant 0 : i32
      %dma_wait3A_68 = tpu.memref_slice %arg3[%run_scoped3A_10, %add3A_9, %dma_wait3A_67] : memref<2x2500x128xi32, #tpu.memory_space<hbm>> -> memref<1x78x128xi32, #tpu.memory_space<hbm>>
      %dma_wait3A_69 = tpu.memref_squeeze %dma_wait3A_68 : memref<1x78x128xi32, #tpu.memory_space<hbm>> -> memref<78x128xi32, #tpu.memory_space<hbm>>
      tpu.wait_dma2 semaphore(%run_scoped3A_57 : memref<!tpu.dma_semaphore, #tpu.memory_space<semaphore_mem>>) src(%dma_wait3A_69 : memref<78x128xi32, #tpu.memory_space<hbm>>) dst(%arg9 : memref<78x128xi32, #tpu.memory_space<vmem>>)
      tpu.yield
    }) : () -> ()
    %dma_start3A = arith.constant 0 : i32
    %dma_start3A_11 = arith.constant 0 : i32
    %dma_start3A_12 = tpu.memref_slice %arg8[%dma_start3A, %dma_start3A_11] : memref<78x128xi32, #tpu.memory_space<vmem>> -> memref<1x128xi32, #tpu.memory_space<vmem>>
    %dma_start3A_13 = tpu.memref_squeeze %dma_start3A_12 : memref<1x128xi32, #tpu.memory_space<vmem>> -> memref<128xi32, #tpu.memory_space<vmem>>
    %dma_start3A_14 = arith.constant 0 : i32
    %dma_start3A_15 = arith.constant 0 : i32
    %dma_start3A_16 = tpu.memref_slice %arg6[%dma_start3A_14, %dma_start3A_15] : memref<10112x64xf32, #tpu.memory_space<vmem_shared>> -> memref<10112x64xf32, #tpu.memory_space<vmem_shared>>
    tpu.enqueue_indirect_dma source(%dma_start3A_16 : memref<10112x64xf32, #tpu.memory_space<vmem_shared>>) target(%arg10 : memref<128x64xf32, #tpu.memory_space<vmem>>) offsets(%dma_start3A_13 : memref<128xi32, #tpu.memory_space<vmem>>) semaphore(%arg12 : memref<!tpu.dma_semaphore, #tpu.memory_space<semaphore_mem>>)
    %scan3A = arith.constant 0 : i32
    %scan3A_17 = arith.constant 0 : i32
    %scan3A_18 = arith.constant 39 : i32
    %scan3A_19 = arith.addi %scan3A_17, %scan3A_18 : i32
    %scan3A_20 = arith.constant 1 : i32
    scf.for %scan3A_57 = %scan3A_17 to %scan3A_19 step %scan3A_20  : i32 {
      %mul3A_58 = arith.constant 2 : i32
      %mul3A_59 = arith.muli %mul3A_58, %scan3A_57 : i32
      %add3A_60 = arith.constant 1 : i32
      %add3A_61 = arith.addi %mul3A_59, %add3A_60 : i32
      %dma_start3A_62 = arith.constant 0 : i32
      %dma_start3A_63 = tpu.memref_slice %arg8[%add3A_61, %dma_start3A_62] : memref<78x128xi32, #tpu.memory_space<vmem>> -> memref<1x128xi32, #tpu.memory_space<vmem>>
      %dma_start3A_64 = tpu.memref_squeeze %dma_start3A_63 : memref<1x128xi32, #tpu.memory_space<vmem>> -> memref<128xi32, #tpu.memory_space<vmem>>
      %dma_start3A_65 = arith.constant 0 : i32
      %dma_start3A_66 = arith.constant 0 : i32
      %dma_start3A_67 = tpu.memref_slice %arg6[%dma_start3A_65, %dma_start3A_66] : memref<10112x64xf32, #tpu.memory_space<vmem_shared>> -> memref<10112x64xf32, #tpu.memory_space<vmem_shared>>
      tpu.enqueue_indirect_dma source(%dma_start3A_67 : memref<10112x64xf32, #tpu.memory_space<vmem_shared>>) target(%arg11 : memref<128x64xf32, #tpu.memory_space<vmem>>) offsets(%dma_start3A_64 : memref<128xi32, #tpu.memory_space<vmem>>) semaphore(%arg13 : memref<!tpu.dma_semaphore, #tpu.memory_space<semaphore_mem>>)
      %dma_wait3A_68 = arith.constant 0 : i32
      %dma_wait3A_69 = tpu.memref_slice %arg8[%mul3A_59, %dma_wait3A_68] : memref<78x128xi32, #tpu.memory_space<vmem>> -> memref<1x128xi32, #tpu.memory_space<vmem>>
      %dma_wait3A_70 = tpu.memref_squeeze %dma_wait3A_69 : memref<1x128xi32, #tpu.memory_space<vmem>> -> memref<128xi32, #tpu.memory_space<vmem>>
      %dma_wait3A_71 = arith.constant 0 : i32
      %dma_wait3A_72 = arith.constant 0 : i32
      %dma_wait3A_73 = tpu.memref_slice %arg6[%dma_wait3A_71, %dma_wait3A_72] : memref<10112x64xf32, #tpu.memory_space<vmem_shared>> -> memref<10112x64xf32, #tpu.memory_space<vmem_shared>>
      tpu.wait_indirect_dma semaphore(%arg12 : memref<!tpu.dma_semaphore, #tpu.memory_space<semaphore_mem>>) src(%dma_wait3A_73 : memref<10112x64xf32, #tpu.memory_space<vmem_shared>>) dst(%arg10 : memref<128x64xf32, #tpu.memory_space<vmem>>)
      "tpu.region"() ({
        %run_scoped3A_91 = tpu.sem_alloc : memref<!tpu.dma_semaphore, #tpu.memory_space<semaphore_mem>>
        %dma_start3A_92 = arith.constant 0 : i32
        %dma_start3A_93 = tpu.memref_slice %arg9[%mul3A_59, %dma_start3A_92] : memref<78x128xi32, #tpu.memory_space<vmem>> -> memref<1x128xi32, #tpu.memory_space<vmem>>
        %dma_start3A_94 = tpu.memref_squeeze %dma_start3A_93 : memref<1x128xi32, #tpu.memory_space<vmem>> -> memref<128xi32, #tpu.memory_space<vmem>>
        %dma_start3A_95 = arith.constant 0 : i32
        %dma_start3A_96 = arith.constant 0 : i32
        %dma_start3A_97 = tpu.memref_slice %arg7[%dma_start3A_95, %dma_start3A_96] : memref<10112x64xf32, #tpu.memory_space<vmem_shared>> -> memref<10112x64xf32, #tpu.memory_space<vmem_shared>>
        tpu.enqueue_indirect_dma source(%arg10 : memref<128x64xf32, #tpu.memory_space<vmem>>) target(%dma_start3A_97 : memref<10112x64xf32, #tpu.memory_space<vmem_shared>>) offsets(%dma_start3A_94 : memref<128xi32, #tpu.memory_space<vmem>>) semaphore(%run_scoped3A_91 : memref<!tpu.dma_semaphore, #tpu.memory_space<semaphore_mem>>) {add = true}
        %dma_wait3A_98 = arith.constant 0 : i32
        %dma_wait3A_99 = tpu.memref_slice %arg9[%mul3A_59, %dma_wait3A_98] : memref<78x128xi32, #tpu.memory_space<vmem>> -> memref<1x128xi32, #tpu.memory_space<vmem>>
        %dma_wait3A_100 = tpu.memref_squeeze %dma_wait3A_99 : memref<1x128xi32, #tpu.memory_space<vmem>> -> memref<128xi32, #tpu.memory_space<vmem>>
        %dma_wait3A_101 = arith.constant 0 : i32
        %dma_wait3A_102 = arith.constant 0 : i32
        %dma_wait3A_103 = tpu.memref_slice %arg7[%dma_wait3A_101, %dma_wait3A_102] : memref<10112x64xf32, #tpu.memory_space<vmem_shared>> -> memref<10112x64xf32, #tpu.memory_space<vmem_shared>>
        tpu.wait_indirect_dma semaphore(%run_scoped3A_91 : memref<!tpu.dma_semaphore, #tpu.memory_space<semaphore_mem>>) src(%arg10 : memref<128x64xf32, #tpu.memory_space<vmem>>) dst(%dma_wait3A_103 : memref<10112x64xf32, #tpu.memory_space<vmem_shared>>)
        tpu.yield
      }) : () -> ()
      %add3A_74 = arith.constant 2 : i32
      %add3A_75 = arith.addi %mul3A_59, %add3A_74 : i32
      %min3A = arith.constant 77 : i32
      %min3A_76 = arith.minsi %add3A_75, %min3A : i32
      %dma_start3A_77 = arith.constant 0 : i32
      %dma_start3A_78 = tpu.memref_slice %arg8[%min3A_76, %dma_start3A_77] : memref<78x128xi32, #tpu.memory_space<vmem>> -> memref<1x128xi32, #tpu.memory_space<vmem>>
      %dma_start3A_79 = tpu.memref_squeeze %dma_start3A_78 : memref<1x128xi32, #tpu.memory_space<vmem>> -> memref<128xi32, #tpu.memory_space<vmem>>
      %dma_start3A_80 = arith.constant 0 : i32
      %dma_start3A_81 = arith.constant 0 : i32
      %dma_start3A_82 = tpu.memref_slice %arg6[%dma_start3A_80, %dma_start3A_81] : memref<10112x64xf32, #tpu.memory_space<vmem_shared>> -> memref<10112x64xf32, #tpu.memory_space<vmem_shared>>
      tpu.enqueue_indirect_dma source(%dma_start3A_82 : memref<10112x64xf32, #tpu.memory_space<vmem_shared>>) target(%arg10 : memref<128x64xf32, #tpu.memory_space<vmem>>) offsets(%dma_start3A_79 : memref<128xi32, #tpu.memory_space<vmem>>) semaphore(%arg12 : memref<!tpu.dma_semaphore, #tpu.memory_space<semaphore_mem>>)
      %dma_wait3A_83 = arith.constant 0 : i32
      %dma_wait3A_84 = tpu.memref_slice %arg8[%add3A_61, %dma_wait3A_83] : memref<78x128xi32, #tpu.memory_space<vmem>> -> memref<1x128xi32, #tpu.memory_space<vmem>>
      %dma_wait3A_85 = tpu.memref_squeeze %dma_wait3A_84 : memref<1x128xi32, #tpu.memory_space<vmem>> -> memref<128xi32, #tpu.memory_space<vmem>>
      %dma_wait3A_86 = arith.constant 0 : i32
      %dma_wait3A_87 = arith.constant 0 : i32
      %dma_wait3A_88 = tpu.memref_slice %arg6[%dma_wait3A_86, %dma_wait3A_87] : memref<10112x64xf32, #tpu.memory_space<vmem_shared>> -> memref<10112x64xf32, #tpu.memory_space<vmem_shared>>
      tpu.wait_indirect_dma semaphore(%arg13 : memref<!tpu.dma_semaphore, #tpu.memory_space<semaphore_mem>>) src(%dma_wait3A_88 : memref<10112x64xf32, #tpu.memory_space<vmem_shared>>) dst(%arg11 : memref<128x64xf32, #tpu.memory_space<vmem>>)
      %add3A_89 = arith.constant 1 : i32
      %add3A_90 = arith.addi %mul3A_59, %add3A_89 : i32
      "tpu.region"() ({
        %run_scoped3A_91 = tpu.sem_alloc : memref<!tpu.dma_semaphore, #tpu.memory_space<semaphore_mem>>
        %dma_start3A_92 = arith.constant 0 : i32
        %dma_start3A_93 = tpu.memref_slice %arg9[%add3A_90, %dma_start3A_92] : memref<78x128xi32, #tpu.memory_space<vmem>> -> memref<1x128xi32, #tpu.memory_space<vmem>>
        %dma_start3A_94 = tpu.memref_squeeze %dma_start3A_93 : memref<1x128xi32, #tpu.memory_space<vmem>> -> memref<128xi32, #tpu.memory_space<vmem>>
        %dma_start3A_95 = arith.constant 0 : i32
        %dma_start3A_96 = arith.constant 0 : i32
        %dma_start3A_97 = tpu.memref_slice %arg7[%dma_start3A_95, %dma_start3A_96] : memref<10112x64xf32, #tpu.memory_space<vmem_shared>> -> memref<10112x64xf32, #tpu.memory_space<vmem_shared>>
        tpu.enqueue_indirect_dma source(%arg11 : memref<128x64xf32, #tpu.memory_space<vmem>>) target(%dma_start3A_97 : memref<10112x64xf32, #tpu.memory_space<vmem_shared>>) offsets(%dma_start3A_94 : memref<128xi32, #tpu.memory_space<vmem>>) semaphore(%run_scoped3A_91 : memref<!tpu.dma_semaphore, #tpu.memory_space<semaphore_mem>>) {add = true}
        %dma_wait3A_98 = arith.constant 0 : i32
        %dma_wait3A_99 = tpu.memref_slice %arg9[%add3A_90, %dma_wait3A_98] : memref<78x128xi32, #tpu.memory_space<vmem>> -> memref<1x128xi32, #tpu.memory_space<vmem>>
        %dma_wait3A_100 = tpu.memref_squeeze %dma_wait3A_99 : memref<1x128xi32, #tpu.memory_space<vmem>> -> memref<128xi32, #tpu.memory_space<vmem>>
        %dma_wait3A_101 = arith.constant 0 : i32
        %dma_wait3A_102 = arith.constant 0 : i32
        %dma_wait3A_103 = tpu.memref_slice %arg7[%dma_wait3A_101, %dma_wait3A_102] : memref<10112x64xf32, #tpu.memory_space<vmem_shared>> -> memref<10112x64xf32, #tpu.memory_space<vmem_shared>>
        tpu.wait_indirect_dma semaphore(%run_scoped3A_91 : memref<!tpu.dma_semaphore, #tpu.memory_space<semaphore_mem>>) src(%arg11 : memref<128x64xf32, #tpu.memory_space<vmem>>) dst(%dma_wait3A_103 : memref<10112x64xf32, #tpu.memory_space<vmem_shared>>)
        tpu.yield
      }) : () -> ()
    }
    %scan3A_21 = arith.constant 39 : i32
    %dma_wait3A = arith.constant 77 : i32
    %dma_wait3A_22 = arith.constant 0 : i32
    %dma_wait3A_23 = tpu.memref_slice %arg8[%dma_wait3A, %dma_wait3A_22] : memref<78x128xi32, #tpu.memory_space<vmem>> -> memref<1x128xi32, #tpu.memory_space<vmem>>
    %dma_wait3A_24 = tpu.memref_squeeze %dma_wait3A_23 : memref<1x128xi32, #tpu.memory_space<vmem>> -> memref<128xi32, #tpu.memory_space<vmem>>
    %dma_wait3A_25 = arith.constant 0 : i32
    %dma_wait3A_26 = arith.constant 0 : i32
    %dma_wait3A_27 = tpu.memref_slice %arg6[%dma_wait3A_25, %dma_wait3A_26] : memref<10112x64xf32, #tpu.memory_space<vmem_shared>> -> memref<10112x64xf32, #tpu.memory_space<vmem_shared>>
    tpu.wait_indirect_dma semaphore(%arg12 : memref<!tpu.dma_semaphore, #tpu.memory_space<semaphore_mem>>) src(%dma_wait3A_27 : memref<10112x64xf32, #tpu.memory_space<vmem_shared>>) dst(%arg10 : memref<128x64xf32, #tpu.memory_space<vmem>>)
    %mul3A_28 = arith.constant 156 : i32
    %mul3A_29 = arith.muli %arg1, %mul3A_28 : i32
    %add3A_30 = arith.constant 78 : i32
    %add3A_31 = arith.addi %mul3A_29, %add3A_30 : i32
    %run_scoped3A_32 = arith.constant 0 : i32
    "tpu.region"() ({
      %run_scoped3A_57 = tpu.sem_alloc : memref<!tpu.dma_semaphore, #tpu.memory_space<semaphore_mem>>
      %dma_start3A_58 = arith.constant 0 : i32
      %dma_start3A_59 = tpu.memref_slice %arg3[%run_scoped3A_32, %add3A_31, %dma_start3A_58] : memref<2x2500x128xi32, #tpu.memory_space<hbm>> -> memref<1x78x128xi32, #tpu.memory_space<hbm>>
      %dma_start3A_60 = tpu.memref_squeeze %dma_start3A_59 : memref<1x78x128xi32, #tpu.memory_space<hbm>> -> memref<78x128xi32, #tpu.memory_space<hbm>>
      %dma_start3A_61 = arith.constant 0 : i32
      %dma_start3A_62 = tpu.memref_slice %arg3[%run_scoped3A_32, %add3A_31, %dma_start3A_61] : memref<2x2500x128xi32, #tpu.memory_space<hbm>> -> memref<1x78x128xi32, #tpu.memory_space<hbm>>
      %dma_start3A_63 = tpu.memref_squeeze %dma_start3A_62 : memref<1x78x128xi32, #tpu.memory_space<hbm>> -> memref<78x128xi32, #tpu.memory_space<hbm>>
      tpu.enqueue_dma source(%dma_start3A_63 : memref<78x128xi32, #tpu.memory_space<hbm>>) target(%arg8 : memref<78x128xi32, #tpu.memory_space<vmem>>) target_semaphore(%run_scoped3A_57 : memref<!tpu.dma_semaphore, #tpu.memory_space<semaphore_mem>>)
      %dma_wait3A_64 = arith.constant 0 : i32
      %dma_wait3A_65 = tpu.memref_slice %arg3[%run_scoped3A_32, %add3A_31, %dma_wait3A_64] : memref<2x2500x128xi32, #tpu.memory_space<hbm>> -> memref<1x78x128xi32, #tpu.memory_space<hbm>>
      %dma_wait3A_66 = tpu.memref_squeeze %dma_wait3A_65 : memref<1x78x128xi32, #tpu.memory_space<hbm>> -> memref<78x128xi32, #tpu.memory_space<hbm>>
      %dma_wait3A_67 = arith.constant 0 : i32
      %dma_wait3A_68 = tpu.memref_slice %arg3[%run_scoped3A_32, %add3A_31, %dma_wait3A_67] : memref<2x2500x128xi32, #tpu.memory_space<hbm>> -> memref<1x78x128xi32, #tpu.memory_space<hbm>>
      %dma_wait3A_69 = tpu.memref_squeeze %dma_wait3A_68 : memref<1x78x128xi32, #tpu.memory_space<hbm>> -> memref<78x128xi32, #tpu.memory_space<hbm>>
      tpu.wait_dma2 semaphore(%run_scoped3A_57 : memref<!tpu.dma_semaphore, #tpu.memory_space<semaphore_mem>>) src(%dma_wait3A_69 : memref<78x128xi32, #tpu.memory_space<hbm>>) dst(%arg8 : memref<78x128xi32, #tpu.memory_space<vmem>>)
      tpu.yield
    }) : () -> ()
    %run_scoped3A_33 = arith.constant 1 : i32
    "tpu.region"() ({
      %run_scoped3A_57 = tpu.sem_alloc : memref<!tpu.dma_semaphore, #tpu.memory_space<semaphore_mem>>
      %dma_start3A_58 = arith.constant 0 : i32
      %dma_start3A_59 = tpu.memref_slice %arg3[%run_scoped3A_33, %add3A_31, %dma_start3A_58] : memref<2x2500x128xi32, #tpu.memory_space<hbm>> -> memref<1x78x128xi32, #tpu.memory_space<hbm>>
      %dma_start3A_60 = tpu.memref_squeeze %dma_start3A_59 : memref<1x78x128xi32, #tpu.memory_space<hbm>> -> memref<78x128xi32, #tpu.memory_space<hbm>>
      %dma_start3A_61 = arith.constant 0 : i32
      %dma_start3A_62 = tpu.memref_slice %arg3[%run_scoped3A_33, %add3A_31, %dma_start3A_61] : memref<2x2500x128xi32, #tpu.memory_space<hbm>> -> memref<1x78x128xi32, #tpu.memory_space<hbm>>
      %dma_start3A_63 = tpu.memref_squeeze %dma_start3A_62 : memref<1x78x128xi32, #tpu.memory_space<hbm>> -> memref<78x128xi32, #tpu.memory_space<hbm>>
      tpu.enqueue_dma source(%dma_start3A_63 : memref<78x128xi32, #tpu.memory_space<hbm>>) target(%arg9 : memref<78x128xi32, #tpu.memory_space<vmem>>) target_semaphore(%run_scoped3A_57 : memref<!tpu.dma_semaphore, #tpu.memory_space<semaphore_mem>>)
      %dma_wait3A_64 = arith.constant 0 : i32
      %dma_wait3A_65 = tpu.memref_slice %arg3[%run_scoped3A_33, %add3A_31, %dma_wait3A_64] : memref<2x2500x128xi32, #tpu.memory_space<hbm>> -> memref<1x78x128xi32, #tpu.memory_space<hbm>>
      %dma_wait3A_66 = tpu.memref_squeeze %dma_wait3A_65 : memref<1x78x128xi32, #tpu.memory_space<hbm>> -> memref<78x128xi32, #tpu.memory_space<hbm>>
      %dma_wait3A_67 = arith.constant 0 : i32
      %dma_wait3A_68 = tpu.memref_slice %arg3[%run_scoped3A_33, %add3A_31, %dma_wait3A_67] : memref<2x2500x128xi32, #tpu.memory_space<hbm>> -> memref<1x78x128xi32, #tpu.memory_space<hbm>>
      %dma_wait3A_69 = tpu.memref_squeeze %dma_wait3A_68 : memref<1x78x128xi32, #tpu.memory_space<hbm>> -> memref<78x128xi32, #tpu.memory_space<hbm>>
      tpu.wait_dma2 semaphore(%run_scoped3A_57 : memref<!tpu.dma_semaphore, #tpu.memory_space<semaphore_mem>>) src(%dma_wait3A_69 : memref<78x128xi32, #tpu.memory_space<hbm>>) dst(%arg9 : memref<78x128xi32, #tpu.memory_space<vmem>>)
      tpu.yield
    }) : () -> ()
    %dma_start3A_34 = arith.constant 0 : i32
    %dma_start3A_35 = arith.constant 0 : i32
    %dma_start3A_36 = tpu.memref_slice %arg8[%dma_start3A_34, %dma_start3A_35] : memref<78x128xi32, #tpu.memory_space<vmem>> -> memref<1x128xi32, #tpu.memory_space<vmem>>
    %dma_start3A_37 = tpu.memref_squeeze %dma_start3A_36 : memref<1x128xi32, #tpu.memory_space<vmem>> -> memref<128xi32, #tpu.memory_space<vmem>>
    %dma_start3A_38 = arith.constant 0 : i32
    %dma_start3A_39 = arith.constant 0 : i32
    %dma_start3A_40 = tpu.memref_slice %arg6[%dma_start3A_38, %dma_start3A_39] : memref<10112x64xf32, #tpu.memory_space<vmem_shared>> -> memref<10112x64xf32, #tpu.memory_space<vmem_shared>>
    tpu.enqueue_indirect_dma source(%dma_start3A_40 : memref<10112x64xf32, #tpu.memory_space<vmem_shared>>) target(%arg10 : memref<128x64xf32, #tpu.memory_space<vmem>>) offsets(%dma_start3A_37 : memref<128xi32, #tpu.memory_space<vmem>>) semaphore(%arg12 : memref<!tpu.dma_semaphore, #tpu.memory_space<semaphore_mem>>)
    %scan3A_41 = arith.constant 0 : i32
    %scan3A_42 = arith.constant 0 : i32
    %scan3A_43 = arith.constant 39 : i32
    %scan3A_44 = arith.addi %scan3A_42, %scan3A_43 : i32
    %scan3A_45 = arith.constant 1 : i32
    scf.for %scan3A_57 = %scan3A_42 to %scan3A_44 step %scan3A_45  : i32 {
      %mul3A_58 = arith.constant 2 : i32
      %mul3A_59 = arith.muli %mul3A_58, %scan3A_57 : i32
      %add3A_60 = arith.constant 1 : i32
      %add3A_61 = arith.addi %mul3A_59, %add3A_60 : i32
      %dma_start3A_62 = arith.constant 0 : i32
      %dma_start3A_63 = tpu.memref_slice %arg8[%add3A_61, %dma_start3A_62] : memref<78x128xi32, #tpu.memory_space<vmem>> -> memref<1x128xi32, #tpu.memory_space<vmem>>
      %dma_start3A_64 = tpu.memref_squeeze %dma_start3A_63 : memref<1x128xi32, #tpu.memory_space<vmem>> -> memref<128xi32, #tpu.memory_space<vmem>>
      %dma_start3A_65 = arith.constant 0 : i32
      %dma_start3A_66 = arith.constant 0 : i32
      %dma_start3A_67 = tpu.memref_slice %arg6[%dma_start3A_65, %dma_start3A_66] : memref<10112x64xf32, #tpu.memory_space<vmem_shared>> -> memref<10112x64xf32, #tpu.memory_space<vmem_shared>>
      tpu.enqueue_indirect_dma source(%dma_start3A_67 : memref<10112x64xf32, #tpu.memory_space<vmem_shared>>) target(%arg11 : memref<128x64xf32, #tpu.memory_space<vmem>>) offsets(%dma_start3A_64 : memref<128xi32, #tpu.memory_space<vmem>>) semaphore(%arg13 : memref<!tpu.dma_semaphore, #tpu.memory_space<semaphore_mem>>)
      %dma_wait3A_68 = arith.constant 0 : i32
      %dma_wait3A_69 = tpu.memref_slice %arg8[%mul3A_59, %dma_wait3A_68] : memref<78x128xi32, #tpu.memory_space<vmem>> -> memref<1x128xi32, #tpu.memory_space<vmem>>
      %dma_wait3A_70 = tpu.memref_squeeze %dma_wait3A_69 : memref<1x128xi32, #tpu.memory_space<vmem>> -> memref<128xi32, #tpu.memory_space<vmem>>
      %dma_wait3A_71 = arith.constant 0 : i32
      %dma_wait3A_72 = arith.constant 0 : i32
      %dma_wait3A_73 = tpu.memref_slice %arg6[%dma_wait3A_71, %dma_wait3A_72] : memref<10112x64xf32, #tpu.memory_space<vmem_shared>> -> memref<10112x64xf32, #tpu.memory_space<vmem_shared>>
      tpu.wait_indirect_dma semaphore(%arg12 : memref<!tpu.dma_semaphore, #tpu.memory_space<semaphore_mem>>) src(%dma_wait3A_73 : memref<10112x64xf32, #tpu.memory_space<vmem_shared>>) dst(%arg10 : memref<128x64xf32, #tpu.memory_space<vmem>>)
      "tpu.region"() ({
        %run_scoped3A_91 = tpu.sem_alloc : memref<!tpu.dma_semaphore, #tpu.memory_space<semaphore_mem>>
        %dma_start3A_92 = arith.constant 0 : i32
        %dma_start3A_93 = tpu.memref_slice %arg9[%mul3A_59, %dma_start3A_92] : memref<78x128xi32, #tpu.memory_space<vmem>> -> memref<1x128xi32, #tpu.memory_space<vmem>>
        %dma_start3A_94 = tpu.memref_squeeze %dma_start3A_93 : memref<1x128xi32, #tpu.memory_space<vmem>> -> memref<128xi32, #tpu.memory_space<vmem>>
        %dma_start3A_95 = arith.constant 0 : i32
        %dma_start3A_96 = arith.constant 0 : i32
        %dma_start3A_97 = tpu.memref_slice %arg7[%dma_start3A_95, %dma_start3A_96] : memref<10112x64xf32, #tpu.memory_space<vmem_shared>> -> memref<10112x64xf32, #tpu.memory_space<vmem_shared>>
        tpu.enqueue_indirect_dma source(%arg10 : memref<128x64xf32, #tpu.memory_space<vmem>>) target(%dma_start3A_97 : memref<10112x64xf32, #tpu.memory_space<vmem_shared>>) offsets(%dma_start3A_94 : memref<128xi32, #tpu.memory_space<vmem>>) semaphore(%run_scoped3A_91 : memref<!tpu.dma_semaphore, #tpu.memory_space<semaphore_mem>>) {add = true}
        %dma_wait3A_98 = arith.constant 0 : i32
        %dma_wait3A_99 = tpu.memref_slice %arg9[%mul3A_59, %dma_wait3A_98] : memref<78x128xi32, #tpu.memory_space<vmem>> -> memref<1x128xi32, #tpu.memory_space<vmem>>
        %dma_wait3A_100 = tpu.memref_squeeze %dma_wait3A_99 : memref<1x128xi32, #tpu.memory_space<vmem>> -> memref<128xi32, #tpu.memory_space<vmem>>
        %dma_wait3A_101 = arith.constant 0 : i32
        %dma_wait3A_102 = arith.constant 0 : i32
        %dma_wait3A_103 = tpu.memref_slice %arg7[%dma_wait3A_101, %dma_wait3A_102] : memref<10112x64xf32, #tpu.memory_space<vmem_shared>> -> memref<10112x64xf32, #tpu.memory_space<vmem_shared>>
        tpu.wait_indirect_dma semaphore(%run_scoped3A_91 : memref<!tpu.dma_semaphore, #tpu.memory_space<semaphore_mem>>) src(%arg10 : memref<128x64xf32, #tpu.memory_space<vmem>>) dst(%dma_wait3A_103 : memref<10112x64xf32, #tpu.memory_space<vmem_shared>>)
        tpu.yield
      }) : () -> ()
      %add3A_74 = arith.constant 2 : i32
      %add3A_75 = arith.addi %mul3A_59, %add3A_74 : i32
      %min3A = arith.constant 77 : i32
      %min3A_76 = arith.minsi %add3A_75, %min3A : i32
      %dma_start3A_77 = arith.constant 0 : i32
      %dma_start3A_78 = tpu.memref_slice %arg8[%min3A_76, %dma_start3A_77] : memref<78x128xi32, #tpu.memory_space<vmem>> -> memref<1x128xi32, #tpu.memory_space<vmem>>
      %dma_start3A_79 = tpu.memref_squeeze %dma_start3A_78 : memref<1x128xi32, #tpu.memory_space<vmem>> -> memref<128xi32, #tpu.memory_space<vmem>>
      %dma_start3A_80 = arith.constant 0 : i32
      %dma_start3A_81 = arith.constant 0 : i32
      %dma_start3A_82 = tpu.memref_slice %arg6[%dma_start3A_80, %dma_start3A_81] : memref<10112x64xf32, #tpu.memory_space<vmem_shared>> -> memref<10112x64xf32, #tpu.memory_space<vmem_shared>>
      tpu.enqueue_indirect_dma source(%dma_start3A_82 : memref<10112x64xf32, #tpu.memory_space<vmem_shared>>) target(%arg10 : memref<128x64xf32, #tpu.memory_space<vmem>>) offsets(%dma_start3A_79 : memref<128xi32, #tpu.memory_space<vmem>>) semaphore(%arg12 : memref<!tpu.dma_semaphore, #tpu.memory_space<semaphore_mem>>)
      %dma_wait3A_83 = arith.constant 0 : i32
      %dma_wait3A_84 = tpu.memref_slice %arg8[%add3A_61, %dma_wait3A_83] : memref<78x128xi32, #tpu.memory_space<vmem>> -> memref<1x128xi32, #tpu.memory_space<vmem>>
      %dma_wait3A_85 = tpu.memref_squeeze %dma_wait3A_84 : memref<1x128xi32, #tpu.memory_space<vmem>> -> memref<128xi32, #tpu.memory_space<vmem>>
      %dma_wait3A_86 = arith.constant 0 : i32
      %dma_wait3A_87 = arith.constant 0 : i32
      %dma_wait3A_88 = tpu.memref_slice %arg6[%dma_wait3A_86, %dma_wait3A_87] : memref<10112x64xf32, #tpu.memory_space<vmem_shared>> -> memref<10112x64xf32, #tpu.memory_space<vmem_shared>>
      tpu.wait_indirect_dma semaphore(%arg13 : memref<!tpu.dma_semaphore, #tpu.memory_space<semaphore_mem>>) src(%dma_wait3A_88 : memref<10112x64xf32, #tpu.memory_space<vmem_shared>>) dst(%arg11 : memref<128x64xf32, #tpu.memory_space<vmem>>)
      %add3A_89 = arith.constant 1 : i32
      %add3A_90 = arith.addi %mul3A_59, %add3A_89 : i32
      "tpu.region"() ({
        %run_scoped3A_91 = tpu.sem_alloc : memref<!tpu.dma_semaphore, #tpu.memory_space<semaphore_mem>>
        %dma_start3A_92 = arith.constant 0 : i32
        %dma_start3A_93 = tpu.memref_slice %arg9[%add3A_90, %dma_start3A_92] : memref<78x128xi32, #tpu.memory_space<vmem>> -> memref<1x128xi32, #tpu.memory_space<vmem>>
        %dma_start3A_94 = tpu.memref_squeeze %dma_start3A_93 : memref<1x128xi32, #tpu.memory_space<vmem>> -> memref<128xi32, #tpu.memory_space<vmem>>
        %dma_start3A_95 = arith.constant 0 : i32
        %dma_start3A_96 = arith.constant 0 : i32
        %dma_start3A_97 = tpu.memref_slice %arg7[%dma_start3A_95, %dma_start3A_96] : memref<10112x64xf32, #tpu.memory_space<vmem_shared>> -> memref<10112x64xf32, #tpu.memory_space<vmem_shared>>
        tpu.enqueue_indirect_dma source(%arg11 : memref<128x64xf32, #tpu.memory_space<vmem>>) target(%dma_start3A_97 : memref<10112x64xf32, #tpu.memory_space<vmem_shared>>) offsets(%dma_start3A_94 : memref<128xi32, #tpu.memory_space<vmem>>) semaphore(%run_scoped3A_91 : memref<!tpu.dma_semaphore, #tpu.memory_space<semaphore_mem>>) {add = true}
        %dma_wait3A_98 = arith.constant 0 : i32
        %dma_wait3A_99 = tpu.memref_slice %arg9[%add3A_90, %dma_wait3A_98] : memref<78x128xi32, #tpu.memory_space<vmem>> -> memref<1x128xi32, #tpu.memory_space<vmem>>
        %dma_wait3A_100 = tpu.memref_squeeze %dma_wait3A_99 : memref<1x128xi32, #tpu.memory_space<vmem>> -> memref<128xi32, #tpu.memory_space<vmem>>
        %dma_wait3A_101 = arith.constant 0 : i32
        %dma_wait3A_102 = arith.constant 0 : i32
        %dma_wait3A_103 = tpu.memref_slice %arg7[%dma_wait3A_101, %dma_wait3A_102] : memref<10112x64xf32, #tpu.memory_space<vmem_shared>> -> memref<10112x64xf32, #tpu.memory_space<vmem_shared>>
        tpu.wait_indirect_dma semaphore(%run_scoped3A_91 : memref<!tpu.dma_semaphore, #tpu.memory_space<semaphore_mem>>) src(%arg11 : memref<128x64xf32, #tpu.memory_space<vmem>>) dst(%dma_wait3A_103 : memref<10112x64xf32, #tpu.memory_space<vmem_shared>>)
        tpu.yield
      }) : () -> ()
    }
    %scan3A_46 = arith.constant 39 : i32
    %dma_wait3A_47 = arith.constant 77 : i32
    %dma_wait3A_48 = arith.constant 0 : i32
    %dma_wait3A_49 = tpu.memref_slice %arg8[%dma_wait3A_47, %dma_wait3A_48] : memref<78x128xi32, #tpu.memory_space<vmem>> -> memref<1x128xi32, #tpu.memory_space<vmem>>
    %dma_wait3A_50 = tpu.memref_squeeze %dma_wait3A_49 : memref<1x128xi32, #tpu.memory_space<vmem>> -> memref<128xi32, #tpu.memory_space<vmem>>
    %dma_wait3A_51 = arith.constant 0 : i32
    %dma_wait3A_52 = arith.constant 0 : i32
    %dma_wait3A_53 = tpu.memref_slice %arg6[%dma_wait3A_51, %dma_wait3A_52] : memref<10112x64xf32, #tpu.memory_space<vmem_shared>> -> memref<10112x64xf32, #tpu.memory_space<vmem_shared>>
    tpu.wait_indirect_dma semaphore(%arg12 : memref<!tpu.dma_semaphore, #tpu.memory_space<semaphore_mem>>) src(%dma_wait3A_53 : memref<10112x64xf32, #tpu.memory_space<vmem_shared>>) dst(%arg10 : memref<128x64xf32, #tpu.memory_space<vmem>>)
    %lt3A = arith.constant 4 : i32
    %lt3A_54 = arith.cmpi slt, %arg1, %lt3A : i32
    %convert_element_type3A = arith.extui %lt3A_54 : i1 to i32
    %cond3A = arith.constant 0 : i32
    %cond3A_55 = arith.cmpi ne, %convert_element_type3A, %cond3A : i32
    scf.if %cond3A_55 {
      %add3A_57 = arith.constant 2496 : i32
      %add3A_58 = arith.addi %add3A_57, %arg1 : i32
      %run_scoped3A_59 = arith.constant 0 : i32
      "tpu.region"() ({
        %run_scoped3A_76 = tpu.sem_alloc : memref<!tpu.dma_semaphore, #tpu.memory_space<semaphore_mem>>
        %dma_start3A_77 = arith.constant 0 : i32
        %dma_start3A_78 = arith.constant 0 : i32
        %dma_start3A_79 = tpu.memref_slice %arg8[%dma_start3A_77, %dma_start3A_78] : memref<78x128xi32, #tpu.memory_space<vmem>> -> memref<1x128xi32, #tpu.memory_space<vmem>>
        %dma_start3A_80 = arith.constant 0 : i32
        %dma_start3A_81 = tpu.memref_slice %arg3[%run_scoped3A_59, %add3A_58, %dma_start3A_80] : memref<2x2500x128xi32, #tpu.memory_space<hbm>> -> memref<1x1x128xi32, #tpu.memory_space<hbm>>
        %dma_start3A_82 = tpu.memref_squeeze %dma_start3A_81 : memref<1x1x128xi32, #tpu.memory_space<hbm>> -> memref<1x128xi32, #tpu.memory_space<hbm>>
        %dma_start3A_83 = arith.constant 0 : i32
        %dma_start3A_84 = arith.constant 0 : i32
        %dma_start3A_85 = tpu.memref_slice %arg8[%dma_start3A_83, %dma_start3A_84] : memref<78x128xi32, #tpu.memory_space<vmem>> -> memref<1x128xi32, #tpu.memory_space<vmem>>
        %dma_start3A_86 = arith.constant 0 : i32
        %dma_start3A_87 = tpu.memref_slice %arg3[%run_scoped3A_59, %add3A_58, %dma_start3A_86] : memref<2x2500x128xi32, #tpu.memory_space<hbm>> -> memref<1x1x128xi32, #tpu.memory_space<hbm>>
        %dma_start3A_88 = tpu.memref_squeeze %dma_start3A_87 : memref<1x1x128xi32, #tpu.memory_space<hbm>> -> memref<1x128xi32, #tpu.memory_space<hbm>>
        tpu.enqueue_dma source(%dma_start3A_88 : memref<1x128xi32, #tpu.memory_space<hbm>>) target(%dma_start3A_85 : memref<1x128xi32, #tpu.memory_space<vmem>>) target_semaphore(%run_scoped3A_76 : memref<!tpu.dma_semaphore, #tpu.memory_space<semaphore_mem>>)
        %dma_wait3A_89 = arith.constant 0 : i32
        %dma_wait3A_90 = arith.constant 0 : i32
        %dma_wait3A_91 = tpu.memref_slice %arg8[%dma_wait3A_89, %dma_wait3A_90] : memref<78x128xi32, #tpu.memory_space<vmem>> -> memref<1x128xi32, #tpu.memory_space<vmem>>
        %dma_wait3A_92 = arith.constant 0 : i32
        %dma_wait3A_93 = tpu.memref_slice %arg3[%run_scoped3A_59, %add3A_58, %dma_wait3A_92] : memref<2x2500x128xi32, #tpu.memory_space<hbm>> -> memref<1x1x128xi32, #tpu.memory_space<hbm>>
        %dma_wait3A_94 = tpu.memref_squeeze %dma_wait3A_93 : memref<1x1x128xi32, #tpu.memory_space<hbm>> -> memref<1x128xi32, #tpu.memory_space<hbm>>
        %dma_wait3A_95 = arith.constant 0 : i32
        %dma_wait3A_96 = arith.constant 0 : i32
        %dma_wait3A_97 = tpu.memref_slice %arg8[%dma_wait3A_95, %dma_wait3A_96] : memref<78x128xi32, #tpu.memory_space<vmem>> -> memref<1x128xi32, #tpu.memory_space<vmem>>
        %dma_wait3A_98 = arith.constant 0 : i32
        %dma_wait3A_99 = tpu.memref_slice %arg3[%run_scoped3A_59, %add3A_58, %dma_wait3A_98] : memref<2x2500x128xi32, #tpu.memory_space<hbm>> -> memref<1x1x128xi32, #tpu.memory_space<hbm>>
        %dma_wait3A_100 = tpu.memref_squeeze %dma_wait3A_99 : memref<1x1x128xi32, #tpu.memory_space<hbm>> -> memref<1x128xi32, #tpu.memory_space<hbm>>
        tpu.wait_dma2 semaphore(%run_scoped3A_76 : memref<!tpu.dma_semaphore, #tpu.memory_space<semaphore_mem>>) src(%dma_wait3A_100 : memref<1x128xi32, #tpu.memory_space<hbm>>) dst(%dma_wait3A_97 : memref<1x128xi32, #tpu.memory_space<vmem>>)
        tpu.yield
      }) : () -> ()
      %run_scoped3A_60 = arith.constant 1 : i32
      "tpu.region"() ({
        %run_scoped3A_76 = tpu.sem_alloc : memref<!tpu.dma_semaphore, #tpu.memory_space<semaphore_mem>>
        %dma_start3A_77 = arith.constant 0 : i32
        %dma_start3A_78 = arith.constant 0 : i32
        %dma_start3A_79 = tpu.memref_slice %arg9[%dma_start3A_77, %dma_start3A_78] : memref<78x128xi32, #tpu.memory_space<vmem>> -> memref<1x128xi32, #tpu.memory_space<vmem>>
        %dma_start3A_80 = arith.constant 0 : i32
        %dma_start3A_81 = tpu.memref_slice %arg3[%run_scoped3A_60, %add3A_58, %dma_start3A_80] : memref<2x2500x128xi32, #tpu.memory_space<hbm>> -> memref<1x1x128xi32, #tpu.memory_space<hbm>>
        %dma_start3A_82 = tpu.memref_squeeze %dma_start3A_81 : memref<1x1x128xi32, #tpu.memory_space<hbm>> -> memref<1x128xi32, #tpu.memory_space<hbm>>
        %dma_start3A_83 = arith.constant 0 : i32
        %dma_start3A_84 = arith.constant 0 : i32
        %dma_start3A_85 = tpu.memref_slice %arg9[%dma_start3A_83, %dma_start3A_84] : memref<78x128xi32, #tpu.memory_space<vmem>> -> memref<1x128xi32, #tpu.memory_space<vmem>>
        %dma_start3A_86 = arith.constant 0 : i32
        %dma_start3A_87 = tpu.memref_slice %arg3[%run_scoped3A_60, %add3A_58, %dma_start3A_86] : memref<2x2500x128xi32, #tpu.memory_space<hbm>> -> memref<1x1x128xi32, #tpu.memory_space<hbm>>
        %dma_start3A_88 = tpu.memref_squeeze %dma_start3A_87 : memref<1x1x128xi32, #tpu.memory_space<hbm>> -> memref<1x128xi32, #tpu.memory_space<hbm>>
        tpu.enqueue_dma source(%dma_start3A_88 : memref<1x128xi32, #tpu.memory_space<hbm>>) target(%dma_start3A_85 : memref<1x128xi32, #tpu.memory_space<vmem>>) target_semaphore(%run_scoped3A_76 : memref<!tpu.dma_semaphore, #tpu.memory_space<semaphore_mem>>)
        %dma_wait3A_89 = arith.constant 0 : i32
        %dma_wait3A_90 = arith.constant 0 : i32
        %dma_wait3A_91 = tpu.memref_slice %arg9[%dma_wait3A_89, %dma_wait3A_90] : memref<78x128xi32, #tpu.memory_space<vmem>> -> memref<1x128xi32, #tpu.memory_space<vmem>>
        %dma_wait3A_92 = arith.constant 0 : i32
        %dma_wait3A_93 = tpu.memref_slice %arg3[%run_scoped3A_60, %add3A_58, %dma_wait3A_92] : memref<2x2500x128xi32, #tpu.memory_space<hbm>> -> memref<1x1x128xi32, #tpu.memory_space<hbm>>
        %dma_wait3A_94 = tpu.memref_squeeze %dma_wait3A_93 : memref<1x1x128xi32, #tpu.memory_space<hbm>> -> memref<1x128xi32, #tpu.memory_space<hbm>>
        %dma_wait3A_95 = arith.constant 0 : i32
        %dma_wait3A_96 = arith.constant 0 : i32
        %dma_wait3A_97 = tpu.memref_slice %arg9[%dma_wait3A_95, %dma_wait3A_96] : memref<78x128xi32, #tpu.memory_space<vmem>> -> memref<1x128xi32, #tpu.memory_space<vmem>>
        %dma_wait3A_98 = arith.constant 0 : i32
        %dma_wait3A_99 = tpu.memref_slice %arg3[%run_scoped3A_60, %add3A_58, %dma_wait3A_98] : memref<2x2500x128xi32, #tpu.memory_space<hbm>> -> memref<1x1x128xi32, #tpu.memory_space<hbm>>
        %dma_wait3A_100 = tpu.memref_squeeze %dma_wait3A_99 : memref<1x1x128xi32, #tpu.memory_space<hbm>> -> memref<1x128xi32, #tpu.memory_space<hbm>>
        tpu.wait_dma2 semaphore(%run_scoped3A_76 : memref<!tpu.dma_semaphore, #tpu.memory_space<semaphore_mem>>) src(%dma_wait3A_100 : memref<1x128xi32, #tpu.memory_space<hbm>>) dst(%dma_wait3A_97 : memref<1x128xi32, #tpu.memory_space<vmem>>)
        tpu.yield
      }) : () -> ()
      %dma_start3A_61 = arith.constant 0 : i32
      %dma_start3A_62 = arith.constant 0 : i32
      %dma_start3A_63 = tpu.memref_slice %arg8[%dma_start3A_61, %dma_start3A_62] : memref<78x128xi32, #tpu.memory_space<vmem>> -> memref<1x128xi32, #tpu.memory_space<vmem>>
      %dma_start3A_64 = tpu.memref_squeeze %dma_start3A_63 : memref<1x128xi32, #tpu.memory_space<vmem>> -> memref<128xi32, #tpu.memory_space<vmem>>
      %dma_start3A_65 = arith.constant 0 : i32
      %dma_start3A_66 = arith.constant 0 : i32
      %dma_start3A_67 = tpu.memref_slice %arg6[%dma_start3A_65, %dma_start3A_66] : memref<10112x64xf32, #tpu.memory_space<vmem_shared>> -> memref<10112x64xf32, #tpu.memory_space<vmem_shared>>
      tpu.enqueue_indirect_dma source(%dma_start3A_67 : memref<10112x64xf32, #tpu.memory_space<vmem_shared>>) target(%arg10 : memref<128x64xf32, #tpu.memory_space<vmem>>) offsets(%dma_start3A_64 : memref<128xi32, #tpu.memory_space<vmem>>) semaphore(%arg12 : memref<!tpu.dma_semaphore, #tpu.memory_space<semaphore_mem>>)
      %dma_wait3A_68 = arith.constant 0 : i32
      %dma_wait3A_69 = arith.constant 0 : i32
      %dma_wait3A_70 = tpu.memref_slice %arg8[%dma_wait3A_68, %dma_wait3A_69] : memref<78x128xi32, #tpu.memory_space<vmem>> -> memref<1x128xi32, #tpu.memory_space<vmem>>
      %dma_wait3A_71 = tpu.memref_squeeze %dma_wait3A_70 : memref<1x128xi32, #tpu.memory_space<vmem>> -> memref<128xi32, #tpu.memory_space<vmem>>
      %dma_wait3A_72 = arith.constant 0 : i32
      %dma_wait3A_73 = arith.constant 0 : i32
      %dma_wait3A_74 = tpu.memref_slice %arg6[%dma_wait3A_72, %dma_wait3A_73] : memref<10112x64xf32, #tpu.memory_space<vmem_shared>> -> memref<10112x64xf32, #tpu.memory_space<vmem_shared>>
      tpu.wait_indirect_dma semaphore(%arg12 : memref<!tpu.dma_semaphore, #tpu.memory_space<semaphore_mem>>) src(%dma_wait3A_74 : memref<10112x64xf32, #tpu.memory_space<vmem_shared>>) dst(%arg10 : memref<128x64xf32, #tpu.memory_space<vmem>>)
      %run_scoped3A_75 = arith.constant 0 : i32
      "tpu.region"() ({
        %run_scoped3A_76 = tpu.sem_alloc : memref<!tpu.dma_semaphore, #tpu.memory_space<semaphore_mem>>
        %dma_start3A_77 = arith.constant 0 : i32
        %dma_start3A_78 = tpu.memref_slice %arg9[%run_scoped3A_75, %dma_start3A_77] : memref<78x128xi32, #tpu.memory_space<vmem>> -> memref<1x128xi32, #tpu.memory_space<vmem>>
        %dma_start3A_79 = tpu.memref_squeeze %dma_start3A_78 : memref<1x128xi32, #tpu.memory_space<vmem>> -> memref<128xi32, #tpu.memory_space<vmem>>
        %dma_start3A_80 = arith.constant 0 : i32
        %dma_start3A_81 = arith.constant 0 : i32
        %dma_start3A_82 = tpu.memref_slice %arg7[%dma_start3A_80, %dma_start3A_81] : memref<10112x64xf32, #tpu.memory_space<vmem_shared>> -> memref<10112x64xf32, #tpu.memory_space<vmem_shared>>
        tpu.enqueue_indirect_dma source(%arg10 : memref<128x64xf32, #tpu.memory_space<vmem>>) target(%dma_start3A_82 : memref<10112x64xf32, #tpu.memory_space<vmem_shared>>) offsets(%dma_start3A_79 : memref<128xi32, #tpu.memory_space<vmem>>) semaphore(%run_scoped3A_76 : memref<!tpu.dma_semaphore, #tpu.memory_space<semaphore_mem>>) {add = true}
        %dma_wait3A_83 = arith.constant 0 : i32
        %dma_wait3A_84 = tpu.memref_slice %arg9[%run_scoped3A_75, %dma_wait3A_83] : memref<78x128xi32, #tpu.memory_space<vmem>> -> memref<1x128xi32, #tpu.memory_space<vmem>>
        %dma_wait3A_85 = tpu.memref_squeeze %dma_wait3A_84 : memref<1x128xi32, #tpu.memory_space<vmem>> -> memref<128xi32, #tpu.memory_space<vmem>>
        %dma_wait3A_86 = arith.constant 0 : i32
        %dma_wait3A_87 = arith.constant 0 : i32
        %dma_wait3A_88 = tpu.memref_slice %arg7[%dma_wait3A_86, %dma_wait3A_87] : memref<10112x64xf32, #tpu.memory_space<vmem_shared>> -> memref<10112x64xf32, #tpu.memory_space<vmem_shared>>
        tpu.wait_indirect_dma semaphore(%run_scoped3A_76 : memref<!tpu.dma_semaphore, #tpu.memory_space<semaphore_mem>>) src(%arg10 : memref<128x64xf32, #tpu.memory_space<vmem>>) dst(%dma_wait3A_88 : memref<10112x64xf32, #tpu.memory_space<vmem_shared>>)
        tpu.yield
      }) : () -> ()
    } else {
    }
    %barrier3A_56 = arith.constant 0 : index
    tpu.barrier barrier_id(%barrier3A_56)
    "tpu.region"() ({
      %run_scoped3A_57 = tpu.sem_alloc : memref<!tpu.dma_semaphore, #tpu.memory_space<semaphore_mem>>
      %dma_start3A_58 = arith.constant 0 : i32
      %dma_start3A_59 = tpu.memref_slice %arg5[%arg0, %mul3A_0, %dma_start3A_58] : memref<2x10112x64xf32, #tpu.memory_space<hbm>> -> memref<1x632x64xf32, #tpu.memory_space<hbm>>
      %dma_start3A_60 = tpu.memref_squeeze %dma_start3A_59 : memref<1x632x64xf32, #tpu.memory_space<hbm>> -> memref<632x64xf32, #tpu.memory_space<hbm>>
      %dma_start3A_61 = arith.constant 0 : i32
      %dma_start3A_62 = tpu.memref_slice %arg7[%mul3A_0, %dma_start3A_61] : memref<10112x64xf32, #tpu.memory_space<vmem_shared>> -> memref<632x64xf32, #tpu.memory_space<vmem_shared>>
      tpu.enqueue_dma source(%dma_start3A_62 : memref<632x64xf32, #tpu.memory_space<vmem_shared>>) target(%dma_start3A_60 : memref<632x64xf32, #tpu.memory_space<hbm>>) target_semaphore(%run_scoped3A_57 : memref<!tpu.dma_semaphore, #tpu.memory_space<semaphore_mem>>)
      %dma_wait3A_63 = arith.constant 0 : i32
      %dma_wait3A_64 = tpu.memref_slice %arg5[%arg0, %mul3A_0, %dma_wait3A_63] : memref<2x10112x64xf32, #tpu.memory_space<hbm>> -> memref<1x632x64xf32, #tpu.memory_space<hbm>>
      %dma_wait3A_65 = tpu.memref_squeeze %dma_wait3A_64 : memref<1x632x64xf32, #tpu.memory_space<hbm>> -> memref<632x64xf32, #tpu.memory_space<hbm>>
      %dma_wait3A_66 = arith.constant 0 : i32
      %dma_wait3A_67 = tpu.memref_slice %arg7[%mul3A_0, %dma_wait3A_66] : memref<10112x64xf32, #tpu.memory_space<vmem_shared>> -> memref<632x64xf32, #tpu.memory_space<vmem_shared>>
      tpu.wait_dma2 semaphore(%run_scoped3A_57 : memref<!tpu.dma_semaphore, #tpu.memory_space<semaphore_mem>>) src(%dma_wait3A_67 : memref<632x64xf32, #tpu.memory_space<vmem_shared>>) dst(%dma_wait3A_65 : memref<632x64xf32, #tpu.memory_space<hbm>>)
      tpu.yield
    }) : () -> ()
    return
  }
}

#map = affine_map<(d0, d1) -> (0, 0)>
#map1 = affine_map<(d0, d1) -> (0, 0, 0)>
module attributes {stable_mosaic.version = 14 : i64} {
  func.func @_agg2_body(%arg0: i32, %arg1: i32, %arg2: memref<10112x16xf32, #tpu.memory_space<hbm>>, %arg3: memref<2x2500x128xi32, #tpu.memory_space<hbm>>, %arg4: memref<10112x16xf32, #tpu.memory_space<hbm>>, %arg5: memref<2x10112x16xf32, #tpu.memory_space<hbm>>, %arg6: memref<10112x16xf32, #tpu.memory_space<vmem_shared>>, %arg7: memref<10112x16xf32, #tpu.memory_space<vmem_shared>>, %arg8: memref<78x128xi32, #tpu.memory_space<vmem>>, %arg9: memref<78x128xi32, #tpu.memory_space<vmem>>, %arg10: memref<128x16xf32, #tpu.memory_space<vmem>>, %arg11: memref<128x16xf32, #tpu.memory_space<vmem>>, %arg12: memref<!tpu.dma_semaphore, #tpu.memory_space<semaphore_mem>>, %arg13: memref<!tpu.dma_semaphore, #tpu.memory_space<semaphore_mem>>) attributes {dimension_semantics = [#tpu.dimension_semantics<core_parallel>, #tpu.dimension_semantics<subcore_parallel>], iteration_bounds = array<i64: 2, 16>, scalar_prefetch = 0 : i64, scratch_operands = 8 : i64, tpu.core_type = #tpu.core_type<sc_vector_subcore>, window_params = [{transform_indices = #map}, {transform_indices = #map1}, {transform_indices = #map}, {transform_indices = #map1}]} {
    %mul3A = arith.constant 632 : i32
    %mul3A_0 = arith.muli %arg1, %mul3A : i32
    "tpu.region"() ({
      %run_scoped3A_26 = tpu.sem_alloc : memref<!tpu.dma_semaphore, #tpu.memory_space<semaphore_mem>>
      %dma_start3A_27 = arith.constant 0 : i32
      %dma_start3A_28 = tpu.memref_slice %arg6[%mul3A_0, %dma_start3A_27] : memref<10112x16xf32, #tpu.memory_space<vmem_shared>> -> memref<632x16xf32, #tpu.memory_space<vmem_shared>>
      %dma_start3A_29 = arith.constant 0 : i32
      %dma_start3A_30 = tpu.memref_slice %arg2[%mul3A_0, %dma_start3A_29] : memref<10112x16xf32, #tpu.memory_space<hbm>> -> memref<632x16xf32, #tpu.memory_space<hbm>>
      tpu.enqueue_dma source(%dma_start3A_30 : memref<632x16xf32, #tpu.memory_space<hbm>>) target(%dma_start3A_28 : memref<632x16xf32, #tpu.memory_space<vmem_shared>>) target_semaphore(%run_scoped3A_26 : memref<!tpu.dma_semaphore, #tpu.memory_space<semaphore_mem>>)
      %dma_wait3A_31 = arith.constant 0 : i32
      %dma_wait3A_32 = tpu.memref_slice %arg6[%mul3A_0, %dma_wait3A_31] : memref<10112x16xf32, #tpu.memory_space<vmem_shared>> -> memref<632x16xf32, #tpu.memory_space<vmem_shared>>
      %dma_wait3A_33 = arith.constant 0 : i32
      %dma_wait3A_34 = tpu.memref_slice %arg2[%mul3A_0, %dma_wait3A_33] : memref<10112x16xf32, #tpu.memory_space<hbm>> -> memref<632x16xf32, #tpu.memory_space<hbm>>
      tpu.wait_dma2 semaphore(%run_scoped3A_26 : memref<!tpu.dma_semaphore, #tpu.memory_space<semaphore_mem>>) src(%dma_wait3A_34 : memref<632x16xf32, #tpu.memory_space<hbm>>) dst(%dma_wait3A_32 : memref<632x16xf32, #tpu.memory_space<vmem_shared>>)
      tpu.yield
    }) : () -> ()
    "tpu.region"() ({
      %run_scoped3A_26 = tpu.sem_alloc : memref<!tpu.dma_semaphore, #tpu.memory_space<semaphore_mem>>
      %dma_start3A_27 = arith.constant 0 : i32
      %dma_start3A_28 = tpu.memref_slice %arg7[%mul3A_0, %dma_start3A_27] : memref<10112x16xf32, #tpu.memory_space<vmem_shared>> -> memref<632x16xf32, #tpu.memory_space<vmem_shared>>
      %dma_start3A_29 = arith.constant 0 : i32
      %dma_start3A_30 = tpu.memref_slice %arg4[%mul3A_0, %dma_start3A_29] : memref<10112x16xf32, #tpu.memory_space<hbm>> -> memref<632x16xf32, #tpu.memory_space<hbm>>
      tpu.enqueue_dma source(%dma_start3A_30 : memref<632x16xf32, #tpu.memory_space<hbm>>) target(%dma_start3A_28 : memref<632x16xf32, #tpu.memory_space<vmem_shared>>) target_semaphore(%run_scoped3A_26 : memref<!tpu.dma_semaphore, #tpu.memory_space<semaphore_mem>>)
      %dma_wait3A_31 = arith.constant 0 : i32
      %dma_wait3A_32 = tpu.memref_slice %arg7[%mul3A_0, %dma_wait3A_31] : memref<10112x16xf32, #tpu.memory_space<vmem_shared>> -> memref<632x16xf32, #tpu.memory_space<vmem_shared>>
      %dma_wait3A_33 = arith.constant 0 : i32
      %dma_wait3A_34 = tpu.memref_slice %arg4[%mul3A_0, %dma_wait3A_33] : memref<10112x16xf32, #tpu.memory_space<hbm>> -> memref<632x16xf32, #tpu.memory_space<hbm>>
      tpu.wait_dma2 semaphore(%run_scoped3A_26 : memref<!tpu.dma_semaphore, #tpu.memory_space<semaphore_mem>>) src(%dma_wait3A_34 : memref<632x16xf32, #tpu.memory_space<hbm>>) dst(%dma_wait3A_32 : memref<632x16xf32, #tpu.memory_space<vmem_shared>>)
      tpu.yield
    }) : () -> ()
    %mul3A_1 = arith.constant 16 : i32
    %mul3A_2 = arith.muli %arg0, %mul3A_1 : i32
    %add3A = arith.addi %mul3A_2, %arg1 : i32
    %mul3A_3 = arith.constant 78 : i32
    %mul3A_4 = arith.muli %add3A, %mul3A_3 : i32
    %run_scoped3A = arith.constant 0 : i32
    "tpu.region"() ({
      %run_scoped3A_26 = tpu.sem_alloc : memref<!tpu.dma_semaphore, #tpu.memory_space<semaphore_mem>>
      %dma_start3A_27 = arith.constant 0 : i32
      %dma_start3A_28 = tpu.memref_slice %arg3[%run_scoped3A, %mul3A_4, %dma_start3A_27] : memref<2x2500x128xi32, #tpu.memory_space<hbm>> -> memref<1x78x128xi32, #tpu.memory_space<hbm>>
      %dma_start3A_29 = tpu.memref_squeeze %dma_start3A_28 : memref<1x78x128xi32, #tpu.memory_space<hbm>> -> memref<78x128xi32, #tpu.memory_space<hbm>>
      %dma_start3A_30 = arith.constant 0 : i32
      %dma_start3A_31 = tpu.memref_slice %arg3[%run_scoped3A, %mul3A_4, %dma_start3A_30] : memref<2x2500x128xi32, #tpu.memory_space<hbm>> -> memref<1x78x128xi32, #tpu.memory_space<hbm>>
      %dma_start3A_32 = tpu.memref_squeeze %dma_start3A_31 : memref<1x78x128xi32, #tpu.memory_space<hbm>> -> memref<78x128xi32, #tpu.memory_space<hbm>>
      tpu.enqueue_dma source(%dma_start3A_32 : memref<78x128xi32, #tpu.memory_space<hbm>>) target(%arg8 : memref<78x128xi32, #tpu.memory_space<vmem>>) target_semaphore(%run_scoped3A_26 : memref<!tpu.dma_semaphore, #tpu.memory_space<semaphore_mem>>)
      %dma_wait3A_33 = arith.constant 0 : i32
      %dma_wait3A_34 = tpu.memref_slice %arg3[%run_scoped3A, %mul3A_4, %dma_wait3A_33] : memref<2x2500x128xi32, #tpu.memory_space<hbm>> -> memref<1x78x128xi32, #tpu.memory_space<hbm>>
      %dma_wait3A_35 = tpu.memref_squeeze %dma_wait3A_34 : memref<1x78x128xi32, #tpu.memory_space<hbm>> -> memref<78x128xi32, #tpu.memory_space<hbm>>
      %dma_wait3A_36 = arith.constant 0 : i32
      %dma_wait3A_37 = tpu.memref_slice %arg3[%run_scoped3A, %mul3A_4, %dma_wait3A_36] : memref<2x2500x128xi32, #tpu.memory_space<hbm>> -> memref<1x78x128xi32, #tpu.memory_space<hbm>>
      %dma_wait3A_38 = tpu.memref_squeeze %dma_wait3A_37 : memref<1x78x128xi32, #tpu.memory_space<hbm>> -> memref<78x128xi32, #tpu.memory_space<hbm>>
      tpu.wait_dma2 semaphore(%run_scoped3A_26 : memref<!tpu.dma_semaphore, #tpu.memory_space<semaphore_mem>>) src(%dma_wait3A_38 : memref<78x128xi32, #tpu.memory_space<hbm>>) dst(%arg8 : memref<78x128xi32, #tpu.memory_space<vmem>>)
      tpu.yield
    }) : () -> ()
    %run_scoped3A_5 = arith.constant 1 : i32
    "tpu.region"() ({
      %run_scoped3A_26 = tpu.sem_alloc : memref<!tpu.dma_semaphore, #tpu.memory_space<semaphore_mem>>
      %dma_start3A_27 = arith.constant 0 : i32
      %dma_start3A_28 = tpu.memref_slice %arg3[%run_scoped3A_5, %mul3A_4, %dma_start3A_27] : memref<2x2500x128xi32, #tpu.memory_space<hbm>> -> memref<1x78x128xi32, #tpu.memory_space<hbm>>
      %dma_start3A_29 = tpu.memref_squeeze %dma_start3A_28 : memref<1x78x128xi32, #tpu.memory_space<hbm>> -> memref<78x128xi32, #tpu.memory_space<hbm>>
      %dma_start3A_30 = arith.constant 0 : i32
      %dma_start3A_31 = tpu.memref_slice %arg3[%run_scoped3A_5, %mul3A_4, %dma_start3A_30] : memref<2x2500x128xi32, #tpu.memory_space<hbm>> -> memref<1x78x128xi32, #tpu.memory_space<hbm>>
      %dma_start3A_32 = tpu.memref_squeeze %dma_start3A_31 : memref<1x78x128xi32, #tpu.memory_space<hbm>> -> memref<78x128xi32, #tpu.memory_space<hbm>>
      tpu.enqueue_dma source(%dma_start3A_32 : memref<78x128xi32, #tpu.memory_space<hbm>>) target(%arg9 : memref<78x128xi32, #tpu.memory_space<vmem>>) target_semaphore(%run_scoped3A_26 : memref<!tpu.dma_semaphore, #tpu.memory_space<semaphore_mem>>)
      %dma_wait3A_33 = arith.constant 0 : i32
      %dma_wait3A_34 = tpu.memref_slice %arg3[%run_scoped3A_5, %mul3A_4, %dma_wait3A_33] : memref<2x2500x128xi32, #tpu.memory_space<hbm>> -> memref<1x78x128xi32, #tpu.memory_space<hbm>>
      %dma_wait3A_35 = tpu.memref_squeeze %dma_wait3A_34 : memref<1x78x128xi32, #tpu.memory_space<hbm>> -> memref<78x128xi32, #tpu.memory_space<hbm>>
      %dma_wait3A_36 = arith.constant 0 : i32
      %dma_wait3A_37 = tpu.memref_slice %arg3[%run_scoped3A_5, %mul3A_4, %dma_wait3A_36] : memref<2x2500x128xi32, #tpu.memory_space<hbm>> -> memref<1x78x128xi32, #tpu.memory_space<hbm>>
      %dma_wait3A_38 = tpu.memref_squeeze %dma_wait3A_37 : memref<1x78x128xi32, #tpu.memory_space<hbm>> -> memref<78x128xi32, #tpu.memory_space<hbm>>
      tpu.wait_dma2 semaphore(%run_scoped3A_26 : memref<!tpu.dma_semaphore, #tpu.memory_space<semaphore_mem>>) src(%dma_wait3A_38 : memref<78x128xi32, #tpu.memory_space<hbm>>) dst(%arg9 : memref<78x128xi32, #tpu.memory_space<vmem>>)
      tpu.yield
    }) : () -> ()
    %barrier3A = arith.constant 0 : index
    tpu.barrier barrier_id(%barrier3A)
    %dma_start3A = arith.constant 0 : i32
    %dma_start3A_6 = arith.constant 0 : i32
    %dma_start3A_7 = tpu.memref_slice %arg8[%dma_start3A, %dma_start3A_6] : memref<78x128xi32, #tpu.memory_space<vmem>> -> memref<1x128xi32, #tpu.memory_space<vmem>>
    %dma_start3A_8 = tpu.memref_squeeze %dma_start3A_7 : memref<1x128xi32, #tpu.memory_space<vmem>> -> memref<128xi32, #tpu.memory_space<vmem>>
    %dma_start3A_9 = arith.constant 0 : i32
    %dma_start3A_10 = arith.constant 0 : i32
    %dma_start3A_11 = tpu.memref_slice %arg6[%dma_start3A_9, %dma_start3A_10] : memref<10112x16xf32, #tpu.memory_space<vmem_shared>> -> memref<10112x16xf32, #tpu.memory_space<vmem_shared>>
    tpu.enqueue_indirect_dma source(%dma_start3A_11 : memref<10112x16xf32, #tpu.memory_space<vmem_shared>>) target(%arg10 : memref<128x16xf32, #tpu.memory_space<vmem>>) offsets(%dma_start3A_8 : memref<128xi32, #tpu.memory_space<vmem>>) semaphore(%arg12 : memref<!tpu.dma_semaphore, #tpu.memory_space<semaphore_mem>>)
    %scan3A = arith.constant 0 : i32
    %scan3A_12 = arith.constant 0 : i32
    %scan3A_13 = arith.constant 39 : i32
    %scan3A_14 = arith.addi %scan3A_12, %scan3A_13 : i32
    %scan3A_15 = arith.constant 1 : i32
    scf.for %scan3A_26 = %scan3A_12 to %scan3A_14 step %scan3A_15  : i32 {
      %mul3A_27 = arith.constant 2 : i32
      %mul3A_28 = arith.muli %mul3A_27, %scan3A_26 : i32
      %add3A_29 = arith.constant 1 : i32
      %add3A_30 = arith.addi %mul3A_28, %add3A_29 : i32
      %dma_start3A_31 = arith.constant 0 : i32
      %dma_start3A_32 = tpu.memref_slice %arg8[%add3A_30, %dma_start3A_31] : memref<78x128xi32, #tpu.memory_space<vmem>> -> memref<1x128xi32, #tpu.memory_space<vmem>>
      %dma_start3A_33 = tpu.memref_squeeze %dma_start3A_32 : memref<1x128xi32, #tpu.memory_space<vmem>> -> memref<128xi32, #tpu.memory_space<vmem>>
      %dma_start3A_34 = arith.constant 0 : i32
      %dma_start3A_35 = arith.constant 0 : i32
      %dma_start3A_36 = tpu.memref_slice %arg6[%dma_start3A_34, %dma_start3A_35] : memref<10112x16xf32, #tpu.memory_space<vmem_shared>> -> memref<10112x16xf32, #tpu.memory_space<vmem_shared>>
      tpu.enqueue_indirect_dma source(%dma_start3A_36 : memref<10112x16xf32, #tpu.memory_space<vmem_shared>>) target(%arg11 : memref<128x16xf32, #tpu.memory_space<vmem>>) offsets(%dma_start3A_33 : memref<128xi32, #tpu.memory_space<vmem>>) semaphore(%arg13 : memref<!tpu.dma_semaphore, #tpu.memory_space<semaphore_mem>>)
      %dma_wait3A_37 = arith.constant 0 : i32
      %dma_wait3A_38 = tpu.memref_slice %arg8[%mul3A_28, %dma_wait3A_37] : memref<78x128xi32, #tpu.memory_space<vmem>> -> memref<1x128xi32, #tpu.memory_space<vmem>>
      %dma_wait3A_39 = tpu.memref_squeeze %dma_wait3A_38 : memref<1x128xi32, #tpu.memory_space<vmem>> -> memref<128xi32, #tpu.memory_space<vmem>>
      %dma_wait3A_40 = arith.constant 0 : i32
      %dma_wait3A_41 = arith.constant 0 : i32
      %dma_wait3A_42 = tpu.memref_slice %arg6[%dma_wait3A_40, %dma_wait3A_41] : memref<10112x16xf32, #tpu.memory_space<vmem_shared>> -> memref<10112x16xf32, #tpu.memory_space<vmem_shared>>
      tpu.wait_indirect_dma semaphore(%arg12 : memref<!tpu.dma_semaphore, #tpu.memory_space<semaphore_mem>>) src(%dma_wait3A_42 : memref<10112x16xf32, #tpu.memory_space<vmem_shared>>) dst(%arg10 : memref<128x16xf32, #tpu.memory_space<vmem>>)
      "tpu.region"() ({
        %run_scoped3A_60 = tpu.sem_alloc : memref<!tpu.dma_semaphore, #tpu.memory_space<semaphore_mem>>
        %dma_start3A_61 = arith.constant 0 : i32
        %dma_start3A_62 = tpu.memref_slice %arg9[%mul3A_28, %dma_start3A_61] : memref<78x128xi32, #tpu.memory_space<vmem>> -> memref<1x128xi32, #tpu.memory_space<vmem>>
        %dma_start3A_63 = tpu.memref_squeeze %dma_start3A_62 : memref<1x128xi32, #tpu.memory_space<vmem>> -> memref<128xi32, #tpu.memory_space<vmem>>
        %dma_start3A_64 = arith.constant 0 : i32
        %dma_start3A_65 = arith.constant 0 : i32
        %dma_start3A_66 = tpu.memref_slice %arg7[%dma_start3A_64, %dma_start3A_65] : memref<10112x16xf32, #tpu.memory_space<vmem_shared>> -> memref<10112x16xf32, #tpu.memory_space<vmem_shared>>
        tpu.enqueue_indirect_dma source(%arg10 : memref<128x16xf32, #tpu.memory_space<vmem>>) target(%dma_start3A_66 : memref<10112x16xf32, #tpu.memory_space<vmem_shared>>) offsets(%dma_start3A_63 : memref<128xi32, #tpu.memory_space<vmem>>) semaphore(%run_scoped3A_60 : memref<!tpu.dma_semaphore, #tpu.memory_space<semaphore_mem>>) {add = true}
        %dma_wait3A_67 = arith.constant 0 : i32
        %dma_wait3A_68 = tpu.memref_slice %arg9[%mul3A_28, %dma_wait3A_67] : memref<78x128xi32, #tpu.memory_space<vmem>> -> memref<1x128xi32, #tpu.memory_space<vmem>>
        %dma_wait3A_69 = tpu.memref_squeeze %dma_wait3A_68 : memref<1x128xi32, #tpu.memory_space<vmem>> -> memref<128xi32, #tpu.memory_space<vmem>>
        %dma_wait3A_70 = arith.constant 0 : i32
        %dma_wait3A_71 = arith.constant 0 : i32
        %dma_wait3A_72 = tpu.memref_slice %arg7[%dma_wait3A_70, %dma_wait3A_71] : memref<10112x16xf32, #tpu.memory_space<vmem_shared>> -> memref<10112x16xf32, #tpu.memory_space<vmem_shared>>
        tpu.wait_indirect_dma semaphore(%run_scoped3A_60 : memref<!tpu.dma_semaphore, #tpu.memory_space<semaphore_mem>>) src(%arg10 : memref<128x16xf32, #tpu.memory_space<vmem>>) dst(%dma_wait3A_72 : memref<10112x16xf32, #tpu.memory_space<vmem_shared>>)
        tpu.yield
      }) : () -> ()
      %add3A_43 = arith.constant 2 : i32
      %add3A_44 = arith.addi %mul3A_28, %add3A_43 : i32
      %min3A = arith.constant 77 : i32
      %min3A_45 = arith.minsi %add3A_44, %min3A : i32
      %dma_start3A_46 = arith.constant 0 : i32
      %dma_start3A_47 = tpu.memref_slice %arg8[%min3A_45, %dma_start3A_46] : memref<78x128xi32, #tpu.memory_space<vmem>> -> memref<1x128xi32, #tpu.memory_space<vmem>>
      %dma_start3A_48 = tpu.memref_squeeze %dma_start3A_47 : memref<1x128xi32, #tpu.memory_space<vmem>> -> memref<128xi32, #tpu.memory_space<vmem>>
      %dma_start3A_49 = arith.constant 0 : i32
      %dma_start3A_50 = arith.constant 0 : i32
      %dma_start3A_51 = tpu.memref_slice %arg6[%dma_start3A_49, %dma_start3A_50] : memref<10112x16xf32, #tpu.memory_space<vmem_shared>> -> memref<10112x16xf32, #tpu.memory_space<vmem_shared>>
      tpu.enqueue_indirect_dma source(%dma_start3A_51 : memref<10112x16xf32, #tpu.memory_space<vmem_shared>>) target(%arg10 : memref<128x16xf32, #tpu.memory_space<vmem>>) offsets(%dma_start3A_48 : memref<128xi32, #tpu.memory_space<vmem>>) semaphore(%arg12 : memref<!tpu.dma_semaphore, #tpu.memory_space<semaphore_mem>>)
      %dma_wait3A_52 = arith.constant 0 : i32
      %dma_wait3A_53 = tpu.memref_slice %arg8[%add3A_30, %dma_wait3A_52] : memref<78x128xi32, #tpu.memory_space<vmem>> -> memref<1x128xi32, #tpu.memory_space<vmem>>
      %dma_wait3A_54 = tpu.memref_squeeze %dma_wait3A_53 : memref<1x128xi32, #tpu.memory_space<vmem>> -> memref<128xi32, #tpu.memory_space<vmem>>
      %dma_wait3A_55 = arith.constant 0 : i32
      %dma_wait3A_56 = arith.constant 0 : i32
      %dma_wait3A_57 = tpu.memref_slice %arg6[%dma_wait3A_55, %dma_wait3A_56] : memref<10112x16xf32, #tpu.memory_space<vmem_shared>> -> memref<10112x16xf32, #tpu.memory_space<vmem_shared>>
      tpu.wait_indirect_dma semaphore(%arg13 : memref<!tpu.dma_semaphore, #tpu.memory_space<semaphore_mem>>) src(%dma_wait3A_57 : memref<10112x16xf32, #tpu.memory_space<vmem_shared>>) dst(%arg11 : memref<128x16xf32, #tpu.memory_space<vmem>>)
      %add3A_58 = arith.constant 1 : i32
      %add3A_59 = arith.addi %mul3A_28, %add3A_58 : i32
      "tpu.region"() ({
        %run_scoped3A_60 = tpu.sem_alloc : memref<!tpu.dma_semaphore, #tpu.memory_space<semaphore_mem>>
        %dma_start3A_61 = arith.constant 0 : i32
        %dma_start3A_62 = tpu.memref_slice %arg9[%add3A_59, %dma_start3A_61] : memref<78x128xi32, #tpu.memory_space<vmem>> -> memref<1x128xi32, #tpu.memory_space<vmem>>
        %dma_start3A_63 = tpu.memref_squeeze %dma_start3A_62 : memref<1x128xi32, #tpu.memory_space<vmem>> -> memref<128xi32, #tpu.memory_space<vmem>>
        %dma_start3A_64 = arith.constant 0 : i32
        %dma_start3A_65 = arith.constant 0 : i32
        %dma_start3A_66 = tpu.memref_slice %arg7[%dma_start3A_64, %dma_start3A_65] : memref<10112x16xf32, #tpu.memory_space<vmem_shared>> -> memref<10112x16xf32, #tpu.memory_space<vmem_shared>>
        tpu.enqueue_indirect_dma source(%arg11 : memref<128x16xf32, #tpu.memory_space<vmem>>) target(%dma_start3A_66 : memref<10112x16xf32, #tpu.memory_space<vmem_shared>>) offsets(%dma_start3A_63 : memref<128xi32, #tpu.memory_space<vmem>>) semaphore(%run_scoped3A_60 : memref<!tpu.dma_semaphore, #tpu.memory_space<semaphore_mem>>) {add = true}
        %dma_wait3A_67 = arith.constant 0 : i32
        %dma_wait3A_68 = tpu.memref_slice %arg9[%add3A_59, %dma_wait3A_67] : memref<78x128xi32, #tpu.memory_space<vmem>> -> memref<1x128xi32, #tpu.memory_space<vmem>>
        %dma_wait3A_69 = tpu.memref_squeeze %dma_wait3A_68 : memref<1x128xi32, #tpu.memory_space<vmem>> -> memref<128xi32, #tpu.memory_space<vmem>>
        %dma_wait3A_70 = arith.constant 0 : i32
        %dma_wait3A_71 = arith.constant 0 : i32
        %dma_wait3A_72 = tpu.memref_slice %arg7[%dma_wait3A_70, %dma_wait3A_71] : memref<10112x16xf32, #tpu.memory_space<vmem_shared>> -> memref<10112x16xf32, #tpu.memory_space<vmem_shared>>
        tpu.wait_indirect_dma semaphore(%run_scoped3A_60 : memref<!tpu.dma_semaphore, #tpu.memory_space<semaphore_mem>>) src(%arg11 : memref<128x16xf32, #tpu.memory_space<vmem>>) dst(%dma_wait3A_72 : memref<10112x16xf32, #tpu.memory_space<vmem_shared>>)
        tpu.yield
      }) : () -> ()
    }
    %scan3A_16 = arith.constant 39 : i32
    %dma_wait3A = arith.constant 77 : i32
    %dma_wait3A_17 = arith.constant 0 : i32
    %dma_wait3A_18 = tpu.memref_slice %arg8[%dma_wait3A, %dma_wait3A_17] : memref<78x128xi32, #tpu.memory_space<vmem>> -> memref<1x128xi32, #tpu.memory_space<vmem>>
    %dma_wait3A_19 = tpu.memref_squeeze %dma_wait3A_18 : memref<1x128xi32, #tpu.memory_space<vmem>> -> memref<128xi32, #tpu.memory_space<vmem>>
    %dma_wait3A_20 = arith.constant 0 : i32
    %dma_wait3A_21 = arith.constant 0 : i32
    %dma_wait3A_22 = tpu.memref_slice %arg6[%dma_wait3A_20, %dma_wait3A_21] : memref<10112x16xf32, #tpu.memory_space<vmem_shared>> -> memref<10112x16xf32, #tpu.memory_space<vmem_shared>>
    tpu.wait_indirect_dma semaphore(%arg12 : memref<!tpu.dma_semaphore, #tpu.memory_space<semaphore_mem>>) src(%dma_wait3A_22 : memref<10112x16xf32, #tpu.memory_space<vmem_shared>>) dst(%arg10 : memref<128x16xf32, #tpu.memory_space<vmem>>)
    %lt3A = arith.constant 4 : i32
    %lt3A_23 = arith.cmpi slt, %add3A, %lt3A : i32
    %convert_element_type3A = arith.extui %lt3A_23 : i1 to i32
    %cond3A = arith.constant 0 : i32
    %cond3A_24 = arith.cmpi ne, %convert_element_type3A, %cond3A : i32
    scf.if %cond3A_24 {
      %add3A_26 = arith.constant 2496 : i32
      %add3A_27 = arith.addi %add3A_26, %add3A : i32
      %run_scoped3A_28 = arith.constant 0 : i32
      "tpu.region"() ({
        %run_scoped3A_45 = tpu.sem_alloc : memref<!tpu.dma_semaphore, #tpu.memory_space<semaphore_mem>>
        %dma_start3A_46 = arith.constant 0 : i32
        %dma_start3A_47 = arith.constant 0 : i32
        %dma_start3A_48 = tpu.memref_slice %arg8[%dma_start3A_46, %dma_start3A_47] : memref<78x128xi32, #tpu.memory_space<vmem>> -> memref<1x128xi32, #tpu.memory_space<vmem>>
        %dma_start3A_49 = arith.constant 0 : i32
        %dma_start3A_50 = tpu.memref_slice %arg3[%run_scoped3A_28, %add3A_27, %dma_start3A_49] : memref<2x2500x128xi32, #tpu.memory_space<hbm>> -> memref<1x1x128xi32, #tpu.memory_space<hbm>>
        %dma_start3A_51 = tpu.memref_squeeze %dma_start3A_50 : memref<1x1x128xi32, #tpu.memory_space<hbm>> -> memref<1x128xi32, #tpu.memory_space<hbm>>
        %dma_start3A_52 = arith.constant 0 : i32
        %dma_start3A_53 = arith.constant 0 : i32
        %dma_start3A_54 = tpu.memref_slice %arg8[%dma_start3A_52, %dma_start3A_53] : memref<78x128xi32, #tpu.memory_space<vmem>> -> memref<1x128xi32, #tpu.memory_space<vmem>>
        %dma_start3A_55 = arith.constant 0 : i32
        %dma_start3A_56 = tpu.memref_slice %arg3[%run_scoped3A_28, %add3A_27, %dma_start3A_55] : memref<2x2500x128xi32, #tpu.memory_space<hbm>> -> memref<1x1x128xi32, #tpu.memory_space<hbm>>
        %dma_start3A_57 = tpu.memref_squeeze %dma_start3A_56 : memref<1x1x128xi32, #tpu.memory_space<hbm>> -> memref<1x128xi32, #tpu.memory_space<hbm>>
        tpu.enqueue_dma source(%dma_start3A_57 : memref<1x128xi32, #tpu.memory_space<hbm>>) target(%dma_start3A_54 : memref<1x128xi32, #tpu.memory_space<vmem>>) target_semaphore(%run_scoped3A_45 : memref<!tpu.dma_semaphore, #tpu.memory_space<semaphore_mem>>)
        %dma_wait3A_58 = arith.constant 0 : i32
        %dma_wait3A_59 = arith.constant 0 : i32
        %dma_wait3A_60 = tpu.memref_slice %arg8[%dma_wait3A_58, %dma_wait3A_59] : memref<78x128xi32, #tpu.memory_space<vmem>> -> memref<1x128xi32, #tpu.memory_space<vmem>>
        %dma_wait3A_61 = arith.constant 0 : i32
        %dma_wait3A_62 = tpu.memref_slice %arg3[%run_scoped3A_28, %add3A_27, %dma_wait3A_61] : memref<2x2500x128xi32, #tpu.memory_space<hbm>> -> memref<1x1x128xi32, #tpu.memory_space<hbm>>
        %dma_wait3A_63 = tpu.memref_squeeze %dma_wait3A_62 : memref<1x1x128xi32, #tpu.memory_space<hbm>> -> memref<1x128xi32, #tpu.memory_space<hbm>>
        %dma_wait3A_64 = arith.constant 0 : i32
        %dma_wait3A_65 = arith.constant 0 : i32
        %dma_wait3A_66 = tpu.memref_slice %arg8[%dma_wait3A_64, %dma_wait3A_65] : memref<78x128xi32, #tpu.memory_space<vmem>> -> memref<1x128xi32, #tpu.memory_space<vmem>>
        %dma_wait3A_67 = arith.constant 0 : i32
        %dma_wait3A_68 = tpu.memref_slice %arg3[%run_scoped3A_28, %add3A_27, %dma_wait3A_67] : memref<2x2500x128xi32, #tpu.memory_space<hbm>> -> memref<1x1x128xi32, #tpu.memory_space<hbm>>
        %dma_wait3A_69 = tpu.memref_squeeze %dma_wait3A_68 : memref<1x1x128xi32, #tpu.memory_space<hbm>> -> memref<1x128xi32, #tpu.memory_space<hbm>>
        tpu.wait_dma2 semaphore(%run_scoped3A_45 : memref<!tpu.dma_semaphore, #tpu.memory_space<semaphore_mem>>) src(%dma_wait3A_69 : memref<1x128xi32, #tpu.memory_space<hbm>>) dst(%dma_wait3A_66 : memref<1x128xi32, #tpu.memory_space<vmem>>)
        tpu.yield
      }) : () -> ()
      %run_scoped3A_29 = arith.constant 1 : i32
      "tpu.region"() ({
        %run_scoped3A_45 = tpu.sem_alloc : memref<!tpu.dma_semaphore, #tpu.memory_space<semaphore_mem>>
        %dma_start3A_46 = arith.constant 0 : i32
        %dma_start3A_47 = arith.constant 0 : i32
        %dma_start3A_48 = tpu.memref_slice %arg9[%dma_start3A_46, %dma_start3A_47] : memref<78x128xi32, #tpu.memory_space<vmem>> -> memref<1x128xi32, #tpu.memory_space<vmem>>
        %dma_start3A_49 = arith.constant 0 : i32
        %dma_start3A_50 = tpu.memref_slice %arg3[%run_scoped3A_29, %add3A_27, %dma_start3A_49] : memref<2x2500x128xi32, #tpu.memory_space<hbm>> -> memref<1x1x128xi32, #tpu.memory_space<hbm>>
        %dma_start3A_51 = tpu.memref_squeeze %dma_start3A_50 : memref<1x1x128xi32, #tpu.memory_space<hbm>> -> memref<1x128xi32, #tpu.memory_space<hbm>>
        %dma_start3A_52 = arith.constant 0 : i32
        %dma_start3A_53 = arith.constant 0 : i32
        %dma_start3A_54 = tpu.memref_slice %arg9[%dma_start3A_52, %dma_start3A_53] : memref<78x128xi32, #tpu.memory_space<vmem>> -> memref<1x128xi32, #tpu.memory_space<vmem>>
        %dma_start3A_55 = arith.constant 0 : i32
        %dma_start3A_56 = tpu.memref_slice %arg3[%run_scoped3A_29, %add3A_27, %dma_start3A_55] : memref<2x2500x128xi32, #tpu.memory_space<hbm>> -> memref<1x1x128xi32, #tpu.memory_space<hbm>>
        %dma_start3A_57 = tpu.memref_squeeze %dma_start3A_56 : memref<1x1x128xi32, #tpu.memory_space<hbm>> -> memref<1x128xi32, #tpu.memory_space<hbm>>
        tpu.enqueue_dma source(%dma_start3A_57 : memref<1x128xi32, #tpu.memory_space<hbm>>) target(%dma_start3A_54 : memref<1x128xi32, #tpu.memory_space<vmem>>) target_semaphore(%run_scoped3A_45 : memref<!tpu.dma_semaphore, #tpu.memory_space<semaphore_mem>>)
        %dma_wait3A_58 = arith.constant 0 : i32
        %dma_wait3A_59 = arith.constant 0 : i32
        %dma_wait3A_60 = tpu.memref_slice %arg9[%dma_wait3A_58, %dma_wait3A_59] : memref<78x128xi32, #tpu.memory_space<vmem>> -> memref<1x128xi32, #tpu.memory_space<vmem>>
        %dma_wait3A_61 = arith.constant 0 : i32
        %dma_wait3A_62 = tpu.memref_slice %arg3[%run_scoped3A_29, %add3A_27, %dma_wait3A_61] : memref<2x2500x128xi32, #tpu.memory_space<hbm>> -> memref<1x1x128xi32, #tpu.memory_space<hbm>>
        %dma_wait3A_63 = tpu.memref_squeeze %dma_wait3A_62 : memref<1x1x128xi32, #tpu.memory_space<hbm>> -> memref<1x128xi32, #tpu.memory_space<hbm>>
        %dma_wait3A_64 = arith.constant 0 : i32
        %dma_wait3A_65 = arith.constant 0 : i32
        %dma_wait3A_66 = tpu.memref_slice %arg9[%dma_wait3A_64, %dma_wait3A_65] : memref<78x128xi32, #tpu.memory_space<vmem>> -> memref<1x128xi32, #tpu.memory_space<vmem>>
        %dma_wait3A_67 = arith.constant 0 : i32
        %dma_wait3A_68 = tpu.memref_slice %arg3[%run_scoped3A_29, %add3A_27, %dma_wait3A_67] : memref<2x2500x128xi32, #tpu.memory_space<hbm>> -> memref<1x1x128xi32, #tpu.memory_space<hbm>>
        %dma_wait3A_69 = tpu.memref_squeeze %dma_wait3A_68 : memref<1x1x128xi32, #tpu.memory_space<hbm>> -> memref<1x128xi32, #tpu.memory_space<hbm>>
        tpu.wait_dma2 semaphore(%run_scoped3A_45 : memref<!tpu.dma_semaphore, #tpu.memory_space<semaphore_mem>>) src(%dma_wait3A_69 : memref<1x128xi32, #tpu.memory_space<hbm>>) dst(%dma_wait3A_66 : memref<1x128xi32, #tpu.memory_space<vmem>>)
        tpu.yield
      }) : () -> ()
      %dma_start3A_30 = arith.constant 0 : i32
      %dma_start3A_31 = arith.constant 0 : i32
      %dma_start3A_32 = tpu.memref_slice %arg8[%dma_start3A_30, %dma_start3A_31] : memref<78x128xi32, #tpu.memory_space<vmem>> -> memref<1x128xi32, #tpu.memory_space<vmem>>
      %dma_start3A_33 = tpu.memref_squeeze %dma_start3A_32 : memref<1x128xi32, #tpu.memory_space<vmem>> -> memref<128xi32, #tpu.memory_space<vmem>>
      %dma_start3A_34 = arith.constant 0 : i32
      %dma_start3A_35 = arith.constant 0 : i32
      %dma_start3A_36 = tpu.memref_slice %arg6[%dma_start3A_34, %dma_start3A_35] : memref<10112x16xf32, #tpu.memory_space<vmem_shared>> -> memref<10112x16xf32, #tpu.memory_space<vmem_shared>>
      tpu.enqueue_indirect_dma source(%dma_start3A_36 : memref<10112x16xf32, #tpu.memory_space<vmem_shared>>) target(%arg10 : memref<128x16xf32, #tpu.memory_space<vmem>>) offsets(%dma_start3A_33 : memref<128xi32, #tpu.memory_space<vmem>>) semaphore(%arg12 : memref<!tpu.dma_semaphore, #tpu.memory_space<semaphore_mem>>)
      %dma_wait3A_37 = arith.constant 0 : i32
      %dma_wait3A_38 = arith.constant 0 : i32
      %dma_wait3A_39 = tpu.memref_slice %arg8[%dma_wait3A_37, %dma_wait3A_38] : memref<78x128xi32, #tpu.memory_space<vmem>> -> memref<1x128xi32, #tpu.memory_space<vmem>>
      %dma_wait3A_40 = tpu.memref_squeeze %dma_wait3A_39 : memref<1x128xi32, #tpu.memory_space<vmem>> -> memref<128xi32, #tpu.memory_space<vmem>>
      %dma_wait3A_41 = arith.constant 0 : i32
      %dma_wait3A_42 = arith.constant 0 : i32
      %dma_wait3A_43 = tpu.memref_slice %arg6[%dma_wait3A_41, %dma_wait3A_42] : memref<10112x16xf32, #tpu.memory_space<vmem_shared>> -> memref<10112x16xf32, #tpu.memory_space<vmem_shared>>
      tpu.wait_indirect_dma semaphore(%arg12 : memref<!tpu.dma_semaphore, #tpu.memory_space<semaphore_mem>>) src(%dma_wait3A_43 : memref<10112x16xf32, #tpu.memory_space<vmem_shared>>) dst(%arg10 : memref<128x16xf32, #tpu.memory_space<vmem>>)
      %run_scoped3A_44 = arith.constant 0 : i32
      "tpu.region"() ({
        %run_scoped3A_45 = tpu.sem_alloc : memref<!tpu.dma_semaphore, #tpu.memory_space<semaphore_mem>>
        %dma_start3A_46 = arith.constant 0 : i32
        %dma_start3A_47 = tpu.memref_slice %arg9[%run_scoped3A_44, %dma_start3A_46] : memref<78x128xi32, #tpu.memory_space<vmem>> -> memref<1x128xi32, #tpu.memory_space<vmem>>
        %dma_start3A_48 = tpu.memref_squeeze %dma_start3A_47 : memref<1x128xi32, #tpu.memory_space<vmem>> -> memref<128xi32, #tpu.memory_space<vmem>>
        %dma_start3A_49 = arith.constant 0 : i32
        %dma_start3A_50 = arith.constant 0 : i32
        %dma_start3A_51 = tpu.memref_slice %arg7[%dma_start3A_49, %dma_start3A_50] : memref<10112x16xf32, #tpu.memory_space<vmem_shared>> -> memref<10112x16xf32, #tpu.memory_space<vmem_shared>>
        tpu.enqueue_indirect_dma source(%arg10 : memref<128x16xf32, #tpu.memory_space<vmem>>) target(%dma_start3A_51 : memref<10112x16xf32, #tpu.memory_space<vmem_shared>>) offsets(%dma_start3A_48 : memref<128xi32, #tpu.memory_space<vmem>>) semaphore(%run_scoped3A_45 : memref<!tpu.dma_semaphore, #tpu.memory_space<semaphore_mem>>) {add = true}
        %dma_wait3A_52 = arith.constant 0 : i32
        %dma_wait3A_53 = tpu.memref_slice %arg9[%run_scoped3A_44, %dma_wait3A_52] : memref<78x128xi32, #tpu.memory_space<vmem>> -> memref<1x128xi32, #tpu.memory_space<vmem>>
        %dma_wait3A_54 = tpu.memref_squeeze %dma_wait3A_53 : memref<1x128xi32, #tpu.memory_space<vmem>> -> memref<128xi32, #tpu.memory_space<vmem>>
        %dma_wait3A_55 = arith.constant 0 : i32
        %dma_wait3A_56 = arith.constant 0 : i32
        %dma_wait3A_57 = tpu.memref_slice %arg7[%dma_wait3A_55, %dma_wait3A_56] : memref<10112x16xf32, #tpu.memory_space<vmem_shared>> -> memref<10112x16xf32, #tpu.memory_space<vmem_shared>>
        tpu.wait_indirect_dma semaphore(%run_scoped3A_45 : memref<!tpu.dma_semaphore, #tpu.memory_space<semaphore_mem>>) src(%arg10 : memref<128x16xf32, #tpu.memory_space<vmem>>) dst(%dma_wait3A_57 : memref<10112x16xf32, #tpu.memory_space<vmem_shared>>)
        tpu.yield
      }) : () -> ()
    } else {
    }
    %barrier3A_25 = arith.constant 0 : index
    tpu.barrier barrier_id(%barrier3A_25)
    "tpu.region"() ({
      %run_scoped3A_26 = tpu.sem_alloc : memref<!tpu.dma_semaphore, #tpu.memory_space<semaphore_mem>>
      %dma_start3A_27 = arith.constant 0 : i32
      %dma_start3A_28 = tpu.memref_slice %arg5[%arg0, %mul3A_0, %dma_start3A_27] : memref<2x10112x16xf32, #tpu.memory_space<hbm>> -> memref<1x632x16xf32, #tpu.memory_space<hbm>>
      %dma_start3A_29 = tpu.memref_squeeze %dma_start3A_28 : memref<1x632x16xf32, #tpu.memory_space<hbm>> -> memref<632x16xf32, #tpu.memory_space<hbm>>
      %dma_start3A_30 = arith.constant 0 : i32
      %dma_start3A_31 = tpu.memref_slice %arg7[%mul3A_0, %dma_start3A_30] : memref<10112x16xf32, #tpu.memory_space<vmem_shared>> -> memref<632x16xf32, #tpu.memory_space<vmem_shared>>
      tpu.enqueue_dma source(%dma_start3A_31 : memref<632x16xf32, #tpu.memory_space<vmem_shared>>) target(%dma_start3A_29 : memref<632x16xf32, #tpu.memory_space<hbm>>) target_semaphore(%run_scoped3A_26 : memref<!tpu.dma_semaphore, #tpu.memory_space<semaphore_mem>>)
      %dma_wait3A_32 = arith.constant 0 : i32
      %dma_wait3A_33 = tpu.memref_slice %arg5[%arg0, %mul3A_0, %dma_wait3A_32] : memref<2x10112x16xf32, #tpu.memory_space<hbm>> -> memref<1x632x16xf32, #tpu.memory_space<hbm>>
      %dma_wait3A_34 = tpu.memref_squeeze %dma_wait3A_33 : memref<1x632x16xf32, #tpu.memory_space<hbm>> -> memref<632x16xf32, #tpu.memory_space<hbm>>
      %dma_wait3A_35 = arith.constant 0 : i32
      %dma_wait3A_36 = tpu.memref_slice %arg7[%mul3A_0, %dma_wait3A_35] : memref<10112x16xf32, #tpu.memory_space<vmem_shared>> -> memref<632x16xf32, #tpu.memory_space<vmem_shared>>
      tpu.wait_dma2 semaphore(%run_scoped3A_26 : memref<!tpu.dma_semaphore, #tpu.memory_space<semaphore_mem>>) src(%dma_wait3A_36 : memref<632x16xf32, #tpu.memory_space<vmem_shared>>) dst(%dma_wait3A_34 : memref<632x16xf32, #tpu.memory_space<hbm>>)
      tpu.yield
    }) : () -> ()
    return
  }
}

module attributes {stable_mosaic.version = 14 : i64} {
  func.func @_add_body(%arg0: memref<2x1264x128xf32, #tpu.memory_space<vmem>>, %arg1: memref<1250x128xf32, #tpu.memory_space<vmem>>) attributes {dimension_semantics = [], scalar_prefetch = 0 : i64, scratch_operands = 0 : i64, tpu.core_type = #tpu.core_type<tc>} {
    %get3A = arith.constant 0 : index
    %get3A_0 = arith.constant 0 : index
    %get3A_1 = arith.constant 0 : index
    %get3A_2 = vector.load %arg0[%get3A, %get3A_0, %get3A_1] : memref<2x1264x128xf32, #tpu.memory_space<vmem>>, vector<1x1250x128xf32>
    %get3A_3 = vector.shape_cast %get3A_2 : vector<1x1250x128xf32> to vector<1250x128xf32>
    %get3A_4 = arith.constant 1 : index
    %get3A_5 = arith.constant 0 : index
    %get3A_6 = arith.constant 0 : index
    %get3A_7 = vector.load %arg0[%get3A_4, %get3A_5, %get3A_6] : memref<2x1264x128xf32, #tpu.memory_space<vmem>>, vector<1x1250x128xf32>
    %get3A_8 = vector.shape_cast %get3A_7 : vector<1x1250x128xf32> to vector<1250x128xf32>
    %add3A = arith.addf %get3A_3, %get3A_8 : vector<1250x128xf32>
    %swap3A = arith.constant 0 : index
    %swap3A_9 = arith.constant 0 : index
    %swap3A_10 = vector.load %arg1[%swap3A, %swap3A_9] : memref<1250x128xf32, #tpu.memory_space<vmem>>, vector<1250x128xf32>
    tpu.vector_store %arg1[%swap3A, %swap3A_9], %add3A {strides = array<i32>} : memref<1250x128xf32, #tpu.memory_space<vmem>>, vector<1250x128xf32>,
    return
  }
}

module attributes {stable_mosaic.version = 14 : i64} {
  func.func @_mm_body(%arg0: memref<2x1264x512xf32, #tpu.memory_space<vmem>>, %arg1: memref<128x128xf32, #tpu.memory_space<vmem>>, %arg2: memref<128x16xf32, #tpu.memory_space<vmem>>, %arg3: memref<1264x128xf32, #tpu.memory_space<vmem>>) attributes {dimension_semantics = [], scalar_prefetch = 0 : i64, scratch_operands = 0 : i64, tpu.core_type = #tpu.core_type<tc>} {
    %get3A = arith.constant 0 : index
    %get3A_0 = arith.constant 0 : index
    %get3A_1 = vector.load %arg1[%get3A, %get3A_0] : memref<128x128xf32, #tpu.memory_space<vmem>>, vector<128x128xf32>
    %get3A_2 = arith.constant 0 : index
    %get3A_3 = arith.constant 0 : index
    %get3A_4 = vector.load %arg2[%get3A_2, %get3A_3] : memref<128x16xf32, #tpu.memory_space<vmem>>, vector<128x16xf32>
    %dot_general3A = arith.constant dense<0.000000e+00> : vector<128x16xf32>
    %dot_general3A_5 = tpu.matmul %get3A_1, %get3A_4, %dot_general3A {dimension_numbers = #tpu.dot_dimension_numbers<[1], [0], [0], [1], [0, 0, 1, 1], [], []>, transpose_lhs_hint = false} : vector<128x128xf32>, vector<128x16xf32>, vector<128x16xf32> -> vector<128x16xf32>
    %iota3A = tpu.iota {dimensions = array<i32: 0>} : vector<512x128xi32>
    %jit3A = arith.constant 64 : i32
    %div3A = vector.broadcast %jit3A : i32 to vector<512x128xi32>
    %div3A_6 = arith.divsi %iota3A, %div3A : vector<512x128xi32>
    %sign3A = arith.constant 0 : i32
    %sign3A_7 = vector.broadcast %sign3A : i32 to vector<512x128xi32>
    %sign3A_8 = arith.cmpi sgt, %iota3A, %sign3A_7 : vector<512x128xi32>
    %sign3A_9 = arith.extui %sign3A_8 : vector<512x128xi1> to vector<512x128xi32>
    %sign3A_10 = arith.constant 0 : i32
    %sign3A_11 = vector.broadcast %sign3A_10 : i32 to vector<512x128xi32>
    %sign3A_12 = arith.cmpi slt, %iota3A, %sign3A_11 : vector<512x128xi32>
    %sign3A_13 = arith.extui %sign3A_12 : vector<512x128xi1> to vector<512x128xi32>
    %sign3A_14 = arith.subi %sign3A_9, %sign3A_13 : vector<512x128xi32>
    %sign3A_15 = arith.constant 0 : i32
    %sign3A_16 = arith.cmpi sgt, %jit3A, %sign3A_15 : i32
    %sign3A_17 = arith.extui %sign3A_16 : i1 to i32
    %sign3A_18 = arith.constant 0 : i32
    %sign3A_19 = arith.cmpi slt, %jit3A, %sign3A_18 : i32
    %sign3A_20 = arith.extui %sign3A_19 : i1 to i32
    %sign3A_21 = arith.subi %sign3A_17, %sign3A_20 : i32
    %ne3A = vector.broadcast %sign3A_21 : i32 to vector<512x128xi32>
    %ne3A_22 = arith.cmpi ne, %sign3A_14, %ne3A : vector<512x128xi32>
    %rem3A = vector.broadcast %jit3A : i32 to vector<512x128xi32>
    %rem3A_23 = arith.remsi %iota3A, %rem3A : vector<512x128xi32>
    %ne3A_24 = arith.constant 0 : i32
    %ne3A_25 = vector.broadcast %ne3A_24 : i32 to vector<512x128xi32>
    %ne3A_26 = arith.cmpi ne, %rem3A_23, %ne3A_25 : vector<512x128xi32>
    %and3A = arith.andi %ne3A_22, %ne3A_26 : vector<512x128xi1>
    %sub3A = arith.constant 1 : i32
    %sub3A_27 = vector.broadcast %sub3A : i32 to vector<512x128xi32>
    %sub3A_28 = arith.subi %div3A_6, %sub3A_27 : vector<512x128xi32>
    %select_n3A = arith.select %and3A, %sub3A_28, %div3A_6 : vector<512x128xi1>, vector<512x128xi32>
    %iota3A_29 = tpu.iota {dimensions = array<i32: 1>} : vector<512x128xi32>
    %jit3A_30 = arith.constant 16 : i32
    %div3A_31 = vector.broadcast %jit3A_30 : i32 to vector<512x128xi32>
    %div3A_32 = arith.divsi %iota3A_29, %div3A_31 : vector<512x128xi32>
    %sign3A_33 = arith.constant 0 : i32
    %sign3A_34 = vector.broadcast %sign3A_33 : i32 to vector<512x128xi32>
    %sign3A_35 = arith.cmpi sgt, %iota3A_29, %sign3A_34 : vector<512x128xi32>
    %sign3A_36 = arith.extui %sign3A_35 : vector<512x128xi1> to vector<512x128xi32>
    %sign3A_37 = arith.constant 0 : i32
    %sign3A_38 = vector.broadcast %sign3A_37 : i32 to vector<512x128xi32>
    %sign3A_39 = arith.cmpi slt, %iota3A_29, %sign3A_38 : vector<512x128xi32>
    %sign3A_40 = arith.extui %sign3A_39 : vector<512x128xi1> to vector<512x128xi32>
    %sign3A_41 = arith.subi %sign3A_36, %sign3A_40 : vector<512x128xi32>
    %sign3A_42 = arith.constant 0 : i32
    %sign3A_43 = arith.cmpi sgt, %jit3A_30, %sign3A_42 : i32
    %sign3A_44 = arith.extui %sign3A_43 : i1 to i32
    %sign3A_45 = arith.constant 0 : i32
    %sign3A_46 = arith.cmpi slt, %jit3A_30, %sign3A_45 : i32
    %sign3A_47 = arith.extui %sign3A_46 : i1 to i32
    %sign3A_48 = arith.subi %sign3A_44, %sign3A_47 : i32
    %ne3A_49 = vector.broadcast %sign3A_48 : i32 to vector<512x128xi32>
    %ne3A_50 = arith.cmpi ne, %sign3A_41, %ne3A_49 : vector<512x128xi32>
    %rem3A_51 = vector.broadcast %jit3A_30 : i32 to vector<512x128xi32>
    %rem3A_52 = arith.remsi %iota3A_29, %rem3A_51 : vector<512x128xi32>
    %ne3A_53 = arith.constant 0 : i32
    %ne3A_54 = vector.broadcast %ne3A_53 : i32 to vector<512x128xi32>
    %ne3A_55 = arith.cmpi ne, %rem3A_52, %ne3A_54 : vector<512x128xi32>
    %and3A_56 = arith.andi %ne3A_50, %ne3A_55 : vector<512x128xi1>
    %sub3A_57 = arith.constant 1 : i32
    %sub3A_58 = vector.broadcast %sub3A_57 : i32 to vector<512x128xi32>
    %sub3A_59 = arith.subi %div3A_32, %sub3A_58 : vector<512x128xi32>
    %select_n3A_60 = arith.select %and3A_56, %sub3A_59, %div3A_32 : vector<512x128xi1>, vector<512x128xi32>
    %eq3A = arith.cmpi eq, %select_n3A, %select_n3A_60 : vector<512x128xi32>
    %slice3A = vector.extract_strided_slice %dot_general3A_5 {offsets = [0, 0], sizes = [64, 16], strides = [1, 1]} : vector<128x16xf32> to vector<64x16xf32>
    %tile3A = tpu.concatenate %slice3A, %slice3A, %slice3A, %slice3A, %slice3A, %slice3A, %slice3A, %slice3A in 0 : vector<64x16xf32>, vector<64x16xf32>, vector<64x16xf32>, vector<64x16xf32>, vector<64x16xf32>, vector<64x16xf32>, vector<64x16xf32>, vector<64x16xf32> -> vector<512x16xf32>
    %tile3A_61 = tpu.concatenate %tile3A, %tile3A, %tile3A, %tile3A, %tile3A, %tile3A, %tile3A, %tile3A in 1 : vector<512x16xf32>, vector<512x16xf32>, vector<512x16xf32>, vector<512x16xf32>, vector<512x16xf32>, vector<512x16xf32>, vector<512x16xf32>, vector<512x16xf32> -> vector<512x128xf32>
    %jit3A_62 = arith.constant 0.000000e+00 : f32
    %broadcast_in_dim3A = vector.broadcast %jit3A_62 : f32 to vector<512x128xf32>
    %select_n3A_63 = arith.select %eq3A, %tile3A_61, %broadcast_in_dim3A : vector<512x128xi1>, vector<512x128xf32>
    %slice3A_64 = vector.extract_strided_slice %dot_general3A_5 {offsets = [64, 0], sizes = [64, 16], strides = [1, 1]} : vector<128x16xf32> to vector<64x16xf32>
    %tile3A_65 = tpu.concatenate %slice3A_64, %slice3A_64, %slice3A_64, %slice3A_64, %slice3A_64, %slice3A_64, %slice3A_64, %slice3A_64 in 0 : vector<64x16xf32>, vector<64x16xf32>, vector<64x16xf32>, vector<64x16xf32>, vector<64x16xf32>, vector<64x16xf32>, vector<64x16xf32>, vector<64x16xf32> -> vector<512x16xf32>
    %tile3A_66 = tpu.concatenate %tile3A_65, %tile3A_65, %tile3A_65, %tile3A_65, %tile3A_65, %tile3A_65, %tile3A_65, %tile3A_65 in 1 : vector<512x16xf32>, vector<512x16xf32>, vector<512x16xf32>, vector<512x16xf32>, vector<512x16xf32>, vector<512x16xf32>, vector<512x16xf32>, vector<512x16xf32> -> vector<512x128xf32>
    %jit3A_67 = arith.constant 0.000000e+00 : f32
    %broadcast_in_dim3A_68 = vector.broadcast %jit3A_67 : f32 to vector<512x128xf32>
    %select_n3A_69 = arith.select %eq3A, %tile3A_66, %broadcast_in_dim3A_68 : vector<512x128xi1>, vector<512x128xf32>
    %get3A_70 = arith.constant 0 : index
    %get3A_71 = arith.constant 0 : index
    %get3A_72 = arith.constant 0 : index
    %get3A_73 = vector.load %arg0[%get3A_70, %get3A_71, %get3A_72] : memref<2x1264x512xf32, #tpu.memory_space<vmem>>, vector<1x1264x512xf32>
    %get3A_74 = vector.shape_cast %get3A_73 : vector<1x1264x512xf32> to vector<1264x512xf32>
    %dot_general3A_75 = arith.constant dense<0.000000e+00> : vector<1264x128xf32>
    %dot_general3A_76 = tpu.matmul %get3A_74, %select_n3A_63, %dot_general3A_75 {dimension_numbers = #tpu.dot_dimension_numbers<[1], [0], [0], [1], [0, 0, 1, 1], [], []>, transpose_lhs_hint = false} : vector<1264x512xf32>, vector<512x128xf32>, vector<1264x128xf32> -> vector<1264x128xf32>
    %get3A_77 = arith.constant 1 : index
    %get3A_78 = arith.constant 0 : index
    %get3A_79 = arith.constant 0 : index
    %get3A_80 = vector.load %arg0[%get3A_77, %get3A_78, %get3A_79] : memref<2x1264x512xf32, #tpu.memory_space<vmem>>, vector<1x1264x512xf32>
    %get3A_81 = vector.shape_cast %get3A_80 : vector<1x1264x512xf32> to vector<1264x512xf32>
    %dot_general3A_82 = arith.constant dense<0.000000e+00> : vector<1264x128xf32>
    %dot_general3A_83 = tpu.matmul %get3A_81, %select_n3A_69, %dot_general3A_82 {dimension_numbers = #tpu.dot_dimension_numbers<[1], [0], [0], [1], [0, 0, 1, 1], [], []>, transpose_lhs_hint = false} : vector<1264x512xf32>, vector<512x128xf32>, vector<1264x128xf32> -> vector<1264x128xf32>
    %add3A = arith.addf %dot_general3A_76, %dot_general3A_83 : vector<1264x128xf32>
    %swap3A = arith.constant 0 : index
    %swap3A_84 = arith.constant 0 : index
    %swap3A_85 = vector.load %arg3[%swap3A, %swap3A_84] : memref<1264x128xf32, #tpu.memory_space<vmem>>, vector<1264x128xf32>
    tpu.vector_store %arg3[%swap3A, %swap3A_84], %add3A {strides = array<i32>} : memref<1264x128xf32, #tpu.memory_space<vmem>>, vector<1264x128xf32>,
    return
  }
}

</mosaic_0001>

<sc_bundles>
// kernel: kernel.6.cloned.1.call-start
scs
__scs_entry_jumppad:
0x0: {  	(pc) =	sbr.rel $0x88, $3  }
0x1: {  	(tag) =	ssettag $0x0;
	lr =	simm.s32 $0x1  }
0x2: {  	[smem:$0x3F9D] =	sst lr;
	_ =	strace $0xD0000000  }
0x3: {  	_ = 	snop  }
0x4: {  	_ = 	snop  }
0x5: {  	_ = 	snop  }
0x6: {  	_ = 	snop  }
0x7: {  	_ = 	snop  }
__scs_overlays_trampoline_lowered:
0x8: {  	[smem:$0x3FAC] =	sst s0  }
0x9: {  	[smem:$0x3FAD] =	sst s1  }
0xa: {  	[smem:$0x3FAE] =	sst s2  }
0xb: {  	[smem:$0x3FAF] =	sst s3  }
0xc: {  	[smem:$0x3FB0] =	sst s4  }
0xd: {  	[smem:$0x3FB1] =	sst s5  }
0xe: {  	[smem:$0x3FB2] =	sst s6  }
0xf: {  	[smem:$0x3FB3] =	sst s7  }
0x10: {  	[smem:$0x3FB4] =	sst s8  }
0x11: {  	[smem:$0x3FB5] =	sst s9;
	s0 =	simm.s32 @!p0 $0x0  }
0x12: {  	s1 =	sld [smem:$0x3F9B];
	s0 =	simm.s32 @p0 $0x1  }
0x13: {  	[smem:$0x3FB6] =	sst s0;
	s0 =	simm.s32 @!p1 $0x0  }
0x14: {  	s2 =	sld [smem:$0x3F9A];
	s0 =	simm.s32 @p1 $0x1  }
0x15: {  	[smem:$0x3FB7] =	sst s0;
	s0 =	simm.s32 @!p2 $0x0  }
0x16: {  	s3 =	sld [smem:$0x3FDB];
	s0 =	simm.s32 @p2 $0x1  }
0x17: {  	s4 =	simm.s32 $0x1BF5;
	[smem:$0x3FB9] =	sst s0  }
0x18: {  	s0 =	sld [smem:$0x3F9C];
	_ =	swait.ge [sflag:s4], $0x0  }
0x19: {  	s7 =	sld [smem:$0x3F9D]  }
0x1a: {  	s8 =	sadd.s32 $0xFFFFE003, lr  }
0x1b: {  	s9 =	sadd.s32 $0xFFFFFEF7, lr;
	s5 =	simm.s32 $0xFFFFFFFF;
	p2 =	slt.u32 s8, $0xFFFFF086  }
0x1c: {  	p1 =	slt.u32 s9, $0xF7A;
	s5 =	simm.s32 @!p2 $0x0  }
0x1d: {  	s5 =	simm.s32 @p1 $0x1;
	p0 =	seq.s32 s7, s2  }
0x1e: {  	s7 =	smul.u32 @!p0 $0xF7A, s2;
	p2 =	seq.s32 @!p0 s5, $0x0  }
0x1f: {  	s9 =	smul.u32 $0xF7A, s1;
	s8 =	simm.s32 @!p0 $0x1BF5;
	p2 =	por !p2, p0  }
0x20: {  	[sflag:s8] =	ssyncset.s32 @!p0 $0xFFFFF086;
	s6 =	sadd.s32 @!p0 s3, s7;
	s7 =	simm.s32 @!p0 $0x108  }
0x21: {  	s3 =	sadd.s32 s3, s9;
	s6 =	sadd.s32 @!p0 $0x88, s6;
	s7 =	simm.s32 @p2 $0x1082  }
0x22: {  	[simem:s7], [sflag:s8] =	dma.local @!p0 [hbm:s6], $0xF7A  }
0x23: {  	s9 =	sor.u32 $0xD0000000, s2;
	s6 =	simm.s32 $0x108;
	_ =	swait.ge @!p0 [sflag:s8], $0x0  }
0x24: {  	s3 =	sadd.s32 $0x88, s3;
	s6 =	simm.s32 @!p1 $0x1082;
	[sflag:s4] =	ssyncset.s32 $0xFFFFF086  }
0x25: {  	[simem:s6], [sflag:s4] =	dma.local [hbm:s3], $0xF7A  }
0x26: {  	[smem:$0x3F9D] =	sst s1;
	(tag) =	ssettag s2;
	_ =	strace s9  }
0x27: {  	s1 =	sld [smem:$0x3FAD]  }
0x28: {  	s2 =	sld [smem:$0x3FAE]  }
0x29: {  	s4 =	sld [smem:$0x3FB0]  }
0x2a: {  	p0 =	seq.s32 s5, $0x0;
	s5 =	sld [smem:$0x3FB1]  }
0x2b: {  	s6 =	sld [smem:$0x3FB2]  }
0x2c: {  	s7 =	sld [smem:$0x3FB3]  }
0x2d: {  	s3 =	simm.s32 $0x108;
	s8 =	sld [smem:$0x3FB4]  }
0x2e: {  	s3 =	simm.s32 @!p0 $0x1082;
	s9 =	sld [smem:$0x3FB5]  }
0x2f: {  	lr =	sadd.s32 s0, s3;
	s0 =	sld [smem:$0x3FAC]  }
0x30: {  	s3 =	sld [smem:$0x3FAF]  }
0x31: {  	[smem:$0x3FB8] =	sst s10  }
0x32: {  	s10 =	sld [smem:$0x3FB6];
	_ =	sdelay $0x3  }
0x33: {  	p0 =	seq.s32 s10, $0x1;
	s10 =	sld [smem:$0x3FB8];
	_ =	sdelay $0x3  }
0x34: {  	[smem:$0x3FB8] =	sst s10  }
0x35: {  	s10 =	sld [smem:$0x3FB7];
	_ =	sdelay $0x3  }
0x36: {  	p1 =	seq.s32 s10, $0x1;
	s10 =	sld [smem:$0x3FB8];
	_ =	sdelay $0x3  }
0x37: {  	[smem:$0x3FB8] =	sst s10  }
0x38: {  	s10 =	sld [smem:$0x3FB9]  }
0x39: {  	_ = 	snop;
	(pc) =	sbr.ind lr, $3  }
0x3a: {  	_ = 	snop  }
0x3b: {  	_ = 	snop  }
0x3c: {  	p2 =	seq.s32 s10, $0x1;
	s10 =	sld [smem:$0x3FB8]  }
0x3d: {  	_ =	shalt  }
0x3e: {  	_ =	shalt  }
0x3f: {  	_ =	shalt  }
0x40: {  	_ =	shalt  }
0x41: {  	_ =	shalt  }
0x42: {  	_ =	shalt  }
0x43: {  	_ =	shalt  }
0x44: {  	_ =	shalt  }
0x45: {  	_ =	shalt  }
0x46: {  	_ =	shalt  }
0x47: {  	_ =	shalt  }
0x48: {  	_ =	shalt  }
0x49: {  	_ =	shalt  }
0x4a: {  	_ =	shalt  }
0x4b: {  	_ =	shalt  }
0x4c: {  	_ =	shalt  }
0x4d: {  	_ =	shalt  }
0x4e: {  	_ =	shalt  }
0x4f: {  	_ =	shalt  }
0x50: {  	_ =	shalt  }
0x51: {  	_ =	shalt  }
0x52: {  	_ =	shalt  }
0x53: {  	_ =	shalt  }
0x54: {  	_ =	shalt  }
0x55: {  	_ =	shalt  }
0x56: {  	_ =	shalt  }
0x57: {  	_ =	shalt  }
0x58: {  	_ =	shalt  }
0x59: {  	_ =	shalt  }
0x5a: {  	_ =	shalt  }
0x5b: {  	_ =	shalt  }
0x5c: {  	_ =	shalt  }
0x5d: {  	_ =	shalt  }
0x5e: {  	_ =	shalt  }
0x5f: {  	_ =	shalt  }
0x60: {  	_ =	shalt  }
0x61: {  	_ =	shalt  }
0x62: {  	_ =	shalt  }
0x63: {  	_ =	shalt  }
0x64: {  	_ =	shalt  }
0x65: {  	_ =	shalt  }
0x66: {  	_ =	shalt  }
0x67: {  	_ =	shalt  }
0x68: {  	_ =	shalt  }
0x69: {  	_ =	shalt  }
0x6a: {  	_ =	shalt  }
0x6b: {  	_ =	shalt  }
0x6c: {  	_ =	shalt  }
0x6d: {  	_ =	shalt  }
0x6e: {  	_ =	shalt  }
0x6f: {  	_ =	shalt  }
0x70: {  	_ =	shalt  }
0x71: {  	_ =	shalt  }
0x72: {  	_ =	shalt  }
0x73: {  	_ =	shalt  }
0x74: {  	_ =	shalt  }
0x75: {  	_ =	shalt  }
0x76: {  	_ =	shalt  }
0x77: {  	_ =	shalt  }
0x78: {  	_ =	shalt  }
0x79: {  	_ =	shalt  }
0x7a: {  	_ =	shalt  }
0x7b: {  	_ =	shalt  }
0x7c: {  	_ =	shalt  }
0x7d: {  	_ =	shalt  }
0x7e: {  	_ =	shalt  }
0x7f: {  	_ =	shalt  }
0x80: {  	_ =	shalt  }
0x81: {  	_ =	shalt  }
0x82: {  	_ =	shalt  }
0x83: {  	_ =	shalt  }
0x84: {  	_ =	shalt  }
0x85: {  	_ =	shalt  }
0x86: {  	_ =	shalt  }
0x87: {  	_ =	shalt  }
.Lfunc_end0:
.L_simem_size_0:
called_computation_lowered:
.L_overlay_start_0:
0x88: {  	s2 =	sld [smem:$0x3FD9]  }
0x89: {  	s3 =	sld [smem:$0x3FFE];
	_ =	sdelay $0x1  }
0x8a: {  	s1 =	srdreg.scid  }
0x8b: {  	s0 =	sand.u32 $0x1, s1  }
0x8c: {  	s17 =	sshll.u32 s0, $0xA;
	s2 =	sadd.s32 s3, s2  }
0x8d: {  	s2 =	sadd.s32 s2, s17  }
0x8e: {  	[smem:$0x3FC4] =	sst s2  }
0x8f: {  	_ = 	snop  }
0x90: {  	s2 =	sld [smem:$0x3FC9];
	(tm) =	ssettm $0x1  }
0x91: {  	s18 =	sld [smem:$0x3FFB];
	_ =	sdelay $0x3  }
0x92: {  	_ =	strace s18  }
0x93: {  	s3 =	sld [smem:$0x3FFC];
	_ =	sdelay $0x3  }
0x94: {  	_ =	strace s3  }
0x95: {  	s3 =	sld [smem:$0x3FFD];
	_ =	sdelay $0x3  }
0x96: {  	_ =	strace s3  }
0x97: {  	_ =	strace $0x8FFFFFFF  }
0x98: {  	s19 =	sld [smem:$0x3FDB];
	_ =	sdelay $0x1  }
0x99: {  	s4 =	simm.s32 $_scs_section_size  }
0x9a: {  	s5 =	simm.s32 $_size__tile_overlayer_lowered;
	s6 =	simm.s32 $_tile_overlayer_lowered  }
0x9b: {  	s22 =	simm.s32 $0x1BFF;
	s21 =	sshll.u32 s6, $0x1;
	s3 =	sadd.s32 s4, s19  }
0x9c: {  	s7 =	simm.s32 $0x0;
	s20 =	sshll.u32 s5, $0x1;
	s5 =	sadd.s32 s21, s3  }
0x9d: {  	[timem:s7], [sflag:s22] =	dma.local [hbm:s5], s20  }
0x9e: {  	_ =	swait.ge [sflag:s22], s20  }
0x9f: {  	s4 =	ssub.s32 $0x0, s20;
	[sflag:s22] =	ssyncset.done $0x0  }
0xa0: {  	[sflag:s22] =	ssyncadd.s32 s4;
	_ =	sdelay $0x1  }
0xa1: {  	s23 =	simm.s32 $0x1B8B  }
0xa2: {  	_ =	swait.ge [sflag:s23], $0x1  }
0xa3: {  	[sflag:s23] =	ssyncset.done $0x0  }
0xa4: {  	s25 =	simm.s32 $0x1B8E;
	s24 =	sld [smem:$0x3FFE];
	[sflag:s23] =	ssyncadd.s32 $0xFFFFFFFF  }
0xa5: {  	s26 =	simm.s32 $execute0_lowered;
	[smem:$0x3FD2] =	sst s25  }
0xa6: {  	s5 =	sshll.u32 s26, $0x1;
	_ =	strace $0x80000046;
	[dreg:$0x1] =	wrdreg $0xFFFFFFFF  }
0xa7: {  	s28 =	simm.s32 $_size_execute0_lowered;
	s3 =	sadd.s32 s3, s5;
	[dreg:$0x0] =	wrdreg $0x0  }
0xa8: {  	s5 =	sshll.u32 s28, $0x1;
	[dreg:$0x2] =	wrdreg s3  }
0xa9: {  	[dreg:$0x3] =	wrdreg s5  }
0xaa: {  	[dreg:$0x4] =	wrdreg $0xC0  }
0xab: {  	_ =	task [dreg:s7], $0x5FFFF  }
0xac: {  	[dreg:$0x1] =	wrdreg $0xFFFFFFFF  }
0xad: {  	[dreg:$0x0] =	wrdreg $0x60  }
0xae: {  	[dreg:$0x2] =	wrdreg s2  }
0xaf: {  	[dreg:$0x3] =	wrdreg s24  }
0xb0: {  	[dreg:$0x4] =	wrdreg $0x0  }
0xb1: {  	[dreg:$0x5] =	wrdreg $0x9E000  }
0xb2: {  	[dreg:$0x6] =	wrdreg $0x9  }
0xb3: {  	_ =	task.clear_ibuf [dreg:s7], $0x7FFFF;
	_ =	strace $0x90000046  }
0xb4: {  	s29 =	simm.s32 $0x9;
	_ =	strace $0x80000048  }
0xb5: {  	_ =	swait.ge [sflag:s29], $0x1  }
0xb6: {  	[sflag:s29] =	ssyncadd.s32 $0xFFFFFFFF  }
0xb7: {  	_ =	strace $0x90000048  }
0xb8: {  	_ =	sfence  }
0xb9: {  	s30 =	sld [smem:$0x0];
	_ =	sdelay $0x2  }
0xba: {  	s31 =	sshll.u32 s1, $0xD;
	s1 =	sshrl.u32 s1, $0x2  }
0xbb: {  	s3 =	sand.u32 $0x4000, s31;
	s1 =	sadd.s32 s1, s30  }
0xbc: {  	s0 =	sor.u32 s3, s0;
	s1 =	sshll.u32 s1, $0x11  }
0xbd: {  	s0 =	sor.u32 s1, s0  }
0xbe: {  	s0 =	sadd.s32 $0x8F2B, s0  }
0xbf: {  	[sflag:s0] =	ssyncadd.remote.s32 $0x1  }
0xc0: {  	_ =	sfence.sel $0xFFFF  }
0xc1: {  	[dreg:$0x0] =	wrdreg $0xFFFFFFFF;
	(pc) =	sbr.abs _section_cstart, $3  }
0xc2: {  	[dreg:$0x1] =	wrdreg $0xFFFFFFFF  }
0xc3: {  	_ =	task.clear_ibuf [dreg:s7], $0x2FFFF;
	_ =	strace $0x9FFFFFFF  }
0xc4: {  	(tm) =	ssettm $0x7FFFFFFF  }
0xc5: {  	_ =	shalt  }
tec
execute0_lowered:
.L_overlay_start_1:
0x0: {  	(tag) =	ssettag $0x1  }
0x1: {  	s0 =	rddreg [dreg:$0x0]  }
0x2: {  	s1 =	rddreg [dreg:$0x1]  }
0x3: {  	s2 =	rddreg [dreg:$0x2]  }
0x4: {  	s3 =	rddreg [dreg:$0x3]  }
0x5: {  	s4 =	stileid.u32;
	s5 =	srdreg.scid;
	s6 =	simm.s32 $0x0  }
0x6: {  	s17 =	simm.s32 $0x1;
	s28 =	simm.s32 $0x2;
	s7 =	smul.u32 $0x9E00, s4  }
0x7: {  	s29 =	simm.s32 $0x16280;
	s30 =	simm.s32 $0x18900;
	s9 =	smul.u32 $0x13880, s4  }
0x8: {  	s31 =	simm.s32 $0x18980;
	s5 =	sand.u32 $0x1, s5;
	s11 =	smul.u32 $0x27100, s4  }
0x9: {  	[smem:$0x7FF] =	sst s6;
	s12 =	sadd.s32 $0x1000, s1;
	s23 =	smul.u32 $0x4E00, s4  }
0xa: {  	s24 =	sshll.u32 s4, $0x6;
	s13 =	sshll.u32 s4, $0x4;
	p0 =	sgt.u32 s4, $0x3  }
0xb: {  	s20 =	smul.u32 $0x9E000, s5;
	_ =	strace $0x80000047;
	s10 =	ssub.s32 $0x2, s5  }
0xc: {  	s5 =	sshll.u32 s5, $0x6;
	s13 =	sadd.s32 s13, s12;
	s8 =	sshrl.u32 s7, $0x3  }
0xd: {  	s21 =	sshrl.u32 s10, $0x1;
	s5 =	sor.u32 s5, s9;
	s22 =	sshrl.u32 s11, $0x2  }
0xe: {  	s25 =	sshrl.u32 s23, $0x3;
	s26 =	sadd.s32 s7, s3;
	s23 =	simm.s32 $0x16300  }
0xf: {  	s8 =	sadd.s32 s8, s1;
	s6 =	sadd.s32 s7, s20;
	s15 =	ssub.s32 s10, s21  }
0x10: {  	s16 =	sadd.s32 s22, s2;
	s5 =	sshrl.u32 s5, $0x3;
	s7 =	sadd.s32 s12, s25  }
0x11: {  	s12 =	sadd.s32 $0x9C00, s13;
	s13 =	sadd.s32 $0x13840, s13;
	s20 =	simm.s32 $0x3  }
0x12: {  	s21 =	sshrl.u32 s26, $0x3;
	s22 =	simm.s32 $0x13C00;
	s25 =	simm.s32 $0x18A00  }
0x13: {  	s26 =	simm.s32 $0x1AA00;
	s6 =	sshrl.u32 s6, $0x3;
	s0 =	sadd.s32 s0, s5  }
0x14: {  	s8 =	sadd.s32 $0x14A00, s8;
	s9 =	sadd.s32 $0x9C40, s7;
	s10 =	sadd.s32 $0x4E0, s7  }
0x15: {  	s11 =	sadd.s32 $0xA120, s7;
	s15 =	smax.u32 s15, $0x1;
	s16 =	sshrl.u32 s16, $0x3  }
0x16: {  	s1 =	sadd.s32 s6, s1;
	[dreg:$0x5] =	wrdreg s0;
	s6 =	sor.u32 $0x1C03, s24  }
0x17: {  	s24 =	simm.s32 $0x80;
	s0 =	simm.s32 $0x0;
	s14 =	sadd.s32 $0x28600, s1  }
.LBB2_1:
0x18: {  	s1 =	rddreg [dreg:$0x5];
	s4 =	simm.s32 $0x8;
	s5 =	simm.s32 $0x10  }
0x19: {  	[spmem:s16@s4], [sflag:s6] =	dma.strided [hbm:s1@s5], $0x1388, s17, $0x8   }
0x1a: {  	_ =	swait.ge [sflag:s20], $0x1388  }
0x1b: {  	[sflag:s20] =	ssyncset.done $0x0  }
0x1c: {  	[sflag:s20] =	ssyncadd.s32 $0xFFFFEC78  }
0x1d: {  	[spmem:s21], [sflag:s6] =	dma.local [hbm:s8], $0x13C0  }
0x1e: {  	_ =	swait.ge [sflag:s20], $0x13C0  }
0x1f: {  	[sflag:s20] =	ssyncset.done $0x0  }
0x20: {  	[sflag:s20] =	ssyncadd.s32 $0xFFFFEC40  }
0x21: {  	s19 =	simm.s32 $0x0;
	[bflag:$0x0] =	sbarrier.arrive $0xFFFF  }
0x22: {  	[tilespmem:s22], [sflag:$0x3] =	stream.linear.gather [hbm4b:s7+s19], $0x2700, $0x38;
	[tilespmem:$0x1CA00] =	vst v63  }
0x23: {  	_ =	swait.ge [sflag:s20], $0x2700  }
0x24: {  	[sflag:s20] =	ssyncset.done $0x0  }
0x25: {  	[sflag:s20] =	ssyncadd.s32 $0xFFFFD900  }
0x26: {  	[tilespmem:s23], [sflag:$0x3] =	stream.linear.gather [hbm4b:s9+s19], $0x2700, $0x38;
	[tilespmem:$0x1CA00] =	vst v63  }
0x27: {  	_ =	swait.ge [sflag:s20], $0x2700  }
0x28: {  	[sflag:s20] =	ssyncset.done $0x0  }
0x29: {  	[sflag:s20] =	ssyncadd.s32 $0xFFFFD900  }
0x2a: {  	[tilespmem:s25], [sflag:$0x1] =	stream.indirect.gather [spmem:s2], $0x40, s22, s24, $0xb8;
	[tilespmem:$0x1CA00] =	vst v63  }
0x2b: {  	s4 =	simm.s32 $0x13C80  }
0x2c: {  	[tilespmem:s26], [sflag:$0x2] =	stream.indirect.gather [spmem:s2], $0x40, s4, s24, $0xb8;
	[tilespmem:$0x1CA00] =	vst v63  }
0x2d: {  	_ =	swait.ge [sflag:s17], $0x2000  }
0x2e: {  	[sflag:s17] =	ssyncset.done $0x0  }
0x2f: {  	s5 =	simm.s32 $0x16300;
	[sflag:s17] =	ssyncadd.s32 $0xFFFFE000  }
0x30: {  	[spmem:s3] =	stream.indirect.scatter.add.f32 [tilespmem:s25], [sflag:$0x3], $0x40, s5, s24, $0xb8;
	[tilespmem:$0x1CA00] =	vst v63  }
0x31: {  	_ =	swait.ge [sflag:s20], $0x2000  }
0x32: {  	[sflag:s20] =	ssyncset.done $0x0  }
0x33: {  	s18 =	simm.s32 $0x13D00;
	[sflag:s20] =	ssyncadd.s32 $0xFFFFE000  }
0x34: {  	[tilespmem:s25], [sflag:$0x1] =	stream.indirect.gather [spmem:s2], $0x40, s18, s24, $0xb8;
	[tilespmem:$0x1CA00] =	vst v63  }
0x35: {  	_ =	swait.ge [sflag:s28], $0x2000  }
0x36: {  	[sflag:s28] =	ssyncset.done $0x0  }
0x37: {  	s19 =	simm.s32 $0x16380;
	[sflag:s28] =	ssyncadd.s32 $0xFFFFE000  }
0x38: {  	[spmem:s3] =	stream.indirect.scatter.add.f32 [tilespmem:s26], [sflag:$0x3], $0x40, s19, s24, $0xb8;
	[tilespmem:$0x1CA00] =	vst v63  }
0x39: {  	_ =	swait.ge [sflag:s20], $0x2000  }
0x3a: {  	s1 =	simm.s32 $0x100;
	s18 =	simm.s32 $0x800;
	[sflag:s20] =	ssyncset.done $0x0  }
.LBB2_2:
0x3b: {  	s19 =	sadd.s32 $0x13C80, s1  }
0x3c: {  	[sflag:s20] =	ssyncadd.s32 $0xFFFFE000;
	s4 =	smov.u32 s18;
	s5 =	sadd.s32 $0x400, s18  }
0x3d: {  	[tilespmem:s26], [sflag:$0x2] =	stream.indirect.gather [spmem:s2], $0x40, s19, s24, $0xb8;
	[tilespmem:$0x1CA00] =	vst v63  }
0x3e: {  	p1 =	sne.s32 s18, $0x9400;
	_ =	swait.ge [sflag:s17], $0x2000  }
0x3f: {  	[sflag:s17] =	ssyncset.done $0x0  }
0x40: {  	s18 =	sadd.s32 $0x16300, s1;
	[sflag:s17] =	ssyncadd.s32 $0xFFFFE000  }
0x41: {  	[spmem:s3] =	stream.indirect.scatter.add.f32 [tilespmem:s25], [sflag:$0x3], $0x40, s18, s24, $0xb8;
	[tilespmem:$0x1CA00] =	vst v63  }
0x42: {  	_ =	swait.ge [sflag:s20], $0x2000  }
0x43: {  	[sflag:s20] =	ssyncset.done $0x0  }
0x44: {  	s18 =	sadd.s32 $0x13D00, s1;
	[sflag:s20] =	ssyncadd.s32 $0xFFFFE000  }
0x45: {  	[tilespmem:s25], [sflag:$0x1] =	stream.indirect.gather [spmem:s2], $0x40, s18, s24, $0xb8;
	[tilespmem:$0x1CA00] =	vst v63  }
0x46: {  	_ =	swait.ge [sflag:s28], $0x2000  }
.Ltmp0:
0x47: {  	[sflag:s28] =	ssyncset.done $0x0;
	(pc) =	sbr.rel @p1 .LBB2_2-.Ltmp0, $4  }
0x48: {  	s1 =	sadd.s32 $0x16380, s1;
	[sflag:s28] =	ssyncadd.s32 $0xFFFFE000  }
0x49: {  	[spmem:s3] =	stream.indirect.scatter.add.f32 [tilespmem:s26], [sflag:$0x3], $0x40, s1, s24, $0xb8;
	[tilespmem:$0x1CA00] =	vst v63  }
0x4a: {  	_ =	swait.ge [sflag:s20], $0x2000  }
0x4b: {  	s18 =	smov.u32 s5;
	s1 =	sshra.s32 s4, $0x2;
	[sflag:s20] =	ssyncset.done $0x0  }
0x4c: {  	s4 =	sadd.s32 $0x13C80, s1;
	[sflag:s20] =	ssyncadd.s32 $0xFFFFE000  }
0x4d: {  	[tilespmem:s26], [sflag:$0x2] =	stream.indirect.gather [spmem:s2], $0x40, s4, s24, $0xb8;
	[tilespmem:$0x1CA00] =	vst v63  }
0x4e: {  	_ =	swait.ge [sflag:s17], $0x2000  }
0x4f: {  	[sflag:s17] =	ssyncset.done $0x0  }
0x50: {  	s19 =	sadd.s32 $0x16300, s1;
	[sflag:s17] =	ssyncadd.s32 $0xFFFFE000  }
0x51: {  	[spmem:s3] =	stream.indirect.scatter.add.f32 [tilespmem:s25], [sflag:$0x3], $0x40, s19, s24, $0xb8;
	[tilespmem:$0x1CA00] =	vst v63  }
0x52: {  	_ =	swait.ge [sflag:s20], $0x2000  }
0x53: {  	[sflag:s20] =	ssyncset.done $0x0  }
0x54: {  	s5 =	sadd.s32 $0x13D00, s1;
	[sflag:s20] =	ssyncadd.s32 $0xFFFFE000  }
0x55: {  	[tilespmem:s25], [sflag:$0x1] =	stream.indirect.gather [spmem:s2], $0x40, s5, s24, $0xb8;
	[tilespmem:$0x1CA00] =	vst v63  }
0x56: {  	_ =	swait.ge [sflag:s28], $0x2000  }
0x57: {  	[sflag:s28] =	ssyncset.done $0x0  }
0x58: {  	s18 =	sadd.s32 $0x16380, s1;
	[sflag:s28] =	ssyncadd.s32 $0xFFFFE000  }
0x59: {  	[spmem:s3] =	stream.indirect.scatter.add.f32 [tilespmem:s26], [sflag:$0x3], $0x40, s18, s24, $0xb8;
	[tilespmem:$0x1CA00] =	vst v63  }
0x5a: {  	_ =	swait.ge [sflag:s20], $0x2000  }
0x5b: {  	[sflag:s20] =	ssyncset.done $0x0  }
0x5c: {  	[sflag:s20] =	ssyncadd.s32 $0xFFFFE000  }
0x5d: {  	[tilespmem:s26], [sflag:$0x2] =	stream.indirect.gather [spmem:s2], $0x40, s29, s24, $0xb8;
	[tilespmem:$0x1CA00] =	vst v63  }
0x5e: {  	_ =	swait.ge [sflag:s17], $0x2000  }
0x5f: {  	[sflag:s17] =	ssyncset.done $0x0  }
0x60: {  	[sflag:s17] =	ssyncadd.s32 $0xFFFFE000  }
0x61: {  	[spmem:s3] =	stream.indirect.scatter.add.f32 [tilespmem:s25], [sflag:$0x3], $0x40, s30, s24, $0xb8;
	[tilespmem:$0x1CA00] =	vst v63  }
0x62: {  	_ =	swait.ge [sflag:s20], $0x2000  }
0x63: {  	[sflag:s20] =	ssyncset.done $0x0  }
0x64: {  	[sflag:s20] =	ssyncadd.s32 $0xFFFFE000  }
0x65: {  	[tilespmem:s25], [sflag:$0x1] =	stream.indirect.gather [spmem:s2], $0x40, s29, s24, $0xb8;
	[tilespmem:$0x1CA00] =	vst v63  }
0x66: {  	_ =	swait.ge [sflag:s28], $0x2000  }
0x67: {  	[sflag:s28] =	ssyncset.done $0x0  }
0x68: {  	[sflag:s28] =	ssyncadd.s32 $0xFFFFE000  }
0x69: {  	[spmem:s3] =	stream.indirect.scatter.add.f32 [tilespmem:s26], [sflag:$0x3], $0x40, s31, s24, $0xb8;
	[tilespmem:$0x1CA00] =	vst v63  }
0x6a: {  	_ =	swait.ge [sflag:s20], $0x2000  }
0x6b: {  	[sflag:s20] =	ssyncset.done $0x0  }
0x6c: {  	[sflag:s20] =	ssyncadd.s32 $0xFFFFE000  }
0x6d: {  	_ =	swait.ge [sflag:s17], $0x2000  }
0x6e: {  	[sflag:s17] =	ssyncset.done $0x0  }
0x6f: {  	s19 =	simm.s32 $0x0;
	[sflag:s17] =	ssyncadd.s32 $0xFFFFE000  }
0x70: {  	[tilespmem:s22], [sflag:$0x3] =	stream.linear.gather [hbm4b:s10+s19], $0x2700, $0x38;
	[tilespmem:$0x1CA00] =	vst v63  }
0x71: {  	_ =	swait.ge [sflag:s20], $0x2700  }
0x72: {  	[sflag:s20] =	ssyncset.done $0x0  }
0x73: {  	[sflag:s20] =	ssyncadd.s32 $0xFFFFD900  }
0x74: {  	[tilespmem:s23], [sflag:$0x3] =	stream.linear.gather [hbm4b:s11+s19], $0x2700, $0x38;
	[tilespmem:$0x1CA00] =	vst v63  }
0x75: {  	_ =	swait.ge [sflag:s20], $0x2700  }
0x76: {  	[sflag:s20] =	ssyncset.done $0x0  }
0x77: {  	[sflag:s20] =	ssyncadd.s32 $0xFFFFD900  }
0x78: {  	[tilespmem:s25], [sflag:$0x1] =	stream.indirect.gather [spmem:s2], $0x40, s22, s24, $0xb8;
	[tilespmem:$0x1CA00] =	vst v63  }
0x79: {  	s4 =	simm.s32 $0x13C80  }
0x7a: {  	[tilespmem:s26], [sflag:$0x2] =	stream.indirect.gather [spmem:s2], $0x40, s4, s24, $0xb8;
	[tilespmem:$0x1CA00] =	vst v63  }
0x7b: {  	_ =	swait.ge [sflag:s17], $0x2000  }
0x7c: {  	[sflag:s17] =	ssyncset.done $0x0  }
0x7d: {  	s5 =	simm.s32 $0x16300;
	[sflag:s17] =	ssyncadd.s32 $0xFFFFE000  }
0x7e: {  	[spmem:s3] =	stream.indirect.scatter.add.f32 [tilespmem:s25], [sflag:$0x3], $0x40, s5, s24, $0xb8;
	[tilespmem:$0x1CA00] =	vst v63  }
0x7f: {  	_ =	swait.ge [sflag:s20], $0x2000  }
0x80: {  	[sflag:s20] =	ssyncset.done $0x0  }
0x81: {  	s18 =	simm.s32 $0x13D00;
	[sflag:s20] =	ssyncadd.s32 $0xFFFFE000  }
0x82: {  	[tilespmem:s25], [sflag:$0x1] =	stream.indirect.gather [spmem:s2], $0x40, s18, s24, $0xb8;
	[tilespmem:$0x1CA00] =	vst v63  }
0x83: {  	_ =	swait.ge [sflag:s28], $0x2000  }
0x84: {  	[sflag:s28] =	ssyncset.done $0x0  }
0x85: {  	s19 =	simm.s32 $0x16380;
	[sflag:s28] =	ssyncadd.s32 $0xFFFFE000  }
0x86: {  	[spmem:s3] =	stream.indirect.scatter.add.f32 [tilespmem:s26], [sflag:$0x3], $0x40, s19, s24, $0xb8;
	[tilespmem:$0x1CA00] =	vst v63  }
0x87: {  	_ =	swait.ge [sflag:s20], $0x2000  }
0x88: {  	s1 =	simm.s32 $0x100;
	s18 =	simm.s32 $0x800;
	[sflag:s20] =	ssyncset.done $0x0  }
.LBB2_4:
0x89: {  	s4 =	sadd.s32 $0x13C80, s1  }
0x8a: {  	[sflag:s20] =	ssyncadd.s32 $0xFFFFE000;
	s5 =	smov.u32 s18;
	s19 =	sadd.s32 $0x400, s18  }
0x8b: {  	[tilespmem:s26], [sflag:$0x2] =	stream.indirect.gather [spmem:s2], $0x40, s4, s24, $0xb8;
	[tilespmem:$0x1CA00] =	vst v63  }
0x8c: {  	p1 =	sne.s32 s18, $0x9400;
	_ =	swait.ge [sflag:s17], $0x2000  }
0x8d: {  	[sflag:s17] =	ssyncset.done $0x0  }
0x8e: {  	s4 =	sadd.s32 $0x16300, s1;
	[sflag:s17] =	ssyncadd.s32 $0xFFFFE000  }
0x8f: {  	[spmem:s3] =	stream.indirect.scatter.add.f32 [tilespmem:s25], [sflag:$0x3], $0x40, s4, s24, $0xb8;
	[tilespmem:$0x1CA00] =	vst v63  }
0x90: {  	_ =	swait.ge [sflag:s20], $0x2000  }
0x91: {  	[sflag:s20] =	ssyncset.done $0x0  }
0x92: {  	s4 =	sadd.s32 $0x13D00, s1;
	[sflag:s20] =	ssyncadd.s32 $0xFFFFE000  }
0x93: {  	[tilespmem:s25], [sflag:$0x1] =	stream.indirect.gather [spmem:s2], $0x40, s4, s24, $0xb8;
	[tilespmem:$0x1CA00] =	vst v63  }
0x94: {  	_ =	swait.ge [sflag:s28], $0x2000  }
.Ltmp1:
0x95: {  	[sflag:s28] =	ssyncset.done $0x0;
	(pc) =	sbr.rel @p1 .LBB2_4-.Ltmp1, $4  }
0x96: {  	s1 =	sadd.s32 $0x16380, s1;
	[sflag:s28] =	ssyncadd.s32 $0xFFFFE000  }
0x97: {  	[spmem:s3] =	stream.indirect.scatter.add.f32 [tilespmem:s26], [sflag:$0x3], $0x40, s1, s24, $0xb8;
	[tilespmem:$0x1CA00] =	vst v63  }
0x98: {  	_ =	swait.ge [sflag:s20], $0x2000  }
0x99: {  	s18 =	smov.u32 s19;
	s1 =	sshra.s32 s5, $0x2;
	[sflag:s20] =	ssyncset.done $0x0  }
0x9a: {  	s4 =	sadd.s32 $0x13C80, s1;
	[sflag:s20] =	ssyncadd.s32 $0xFFFFE000  }
0x9b: {  	[tilespmem:s26], [sflag:$0x2] =	stream.indirect.gather [spmem:s2], $0x40, s4, s24, $0xb8;
	[tilespmem:$0x1CA00] =	vst v63  }
0x9c: {  	_ =	swait.ge [sflag:s17], $0x2000  }
0x9d: {  	[sflag:s17] =	ssyncset.done $0x0  }
0x9e: {  	s5 =	sadd.s32 $0x16300, s1;
	[sflag:s17] =	ssyncadd.s32 $0xFFFFE000  }
0x9f: {  	[spmem:s3] =	stream.indirect.scatter.add.f32 [tilespmem:s25], [sflag:$0x3], $0x40, s5, s24, $0xb8;
	[tilespmem:$0x1CA00] =	vst v63  }
0xa0: {  	_ =	swait.ge [sflag:s20], $0x2000  }
0xa1: {  	[sflag:s20] =	ssyncset.done $0x0  }
0xa2: {  	s18 =	sadd.s32 $0x13D00, s1;
	[sflag:s20] =	ssyncadd.s32 $0xFFFFE000  }
0xa3: {  	[tilespmem:s25], [sflag:$0x1] =	stream.indirect.gather [spmem:s2], $0x40, s18, s24, $0xb8;
	[tilespmem:$0x1CA00] =	vst v63  }
0xa4: {  	_ =	swait.ge [sflag:s28], $0x2000  }
0xa5: {  	[sflag:s28] =	ssyncset.done $0x0  }
0xa6: {  	s19 =	sadd.s32 $0x16380, s1;
	[sflag:s28] =	ssyncadd.s32 $0xFFFFE000  }
0xa7: {  	[spmem:s3] =	stream.indirect.scatter.add.f32 [tilespmem:s26], [sflag:$0x3], $0x40, s19, s24, $0xb8;
	[tilespmem:$0x1CA00] =	vst v63  }
0xa8: {  	_ =	swait.ge [sflag:s20], $0x2000  }
0xa9: {  	[sflag:s20] =	ssyncset.done $0x0  }
0xaa: {  	[sflag:s20] =	ssyncadd.s32 $0xFFFFE000  }
0xab: {  	[tilespmem:s26], [sflag:$0x2] =	stream.indirect.gather [spmem:s2], $0x40, s29, s24, $0xb8;
	[tilespmem:$0x1CA00] =	vst v63  }
0xac: {  	_ =	swait.ge [sflag:s17], $0x2000  }
0xad: {  	[sflag:s17] =	ssyncset.done $0x0  }
0xae: {  	[sflag:s17] =	ssyncadd.s32 $0xFFFFE000  }
0xaf: {  	[spmem:s3] =	stream.indirect.scatter.add.f32 [tilespmem:s25], [sflag:$0x3], $0x40, s30, s24, $0xb8;
	[tilespmem:$0x1CA00] =	vst v63  }
0xb0: {  	_ =	swait.ge [sflag:s20], $0x2000  }
0xb1: {  	[sflag:s20] =	ssyncset.done $0x0  }
0xb2: {  	[sflag:s20] =	ssyncadd.s32 $0xFFFFE000  }
0xb3: {  	[tilespmem:s25], [sflag:$0x1] =	stream.indirect.gather [spmem:s2], $0x40, s29, s24, $0xb8;
	[tilespmem:$0x1CA00] =	vst v63  }
0xb4: {  	_ =	swait.ge [sflag:s28], $0x2000  }
0xb5: {  	[sflag:s28] =	ssyncset.done $0x0  }
0xb6: {  	[sflag:s28] =	ssyncadd.s32 $0xFFFFE000  }
0xb7: {  	[spmem:s3] =	stream.indirect.scatter.add.f32 [tilespmem:s26], [sflag:$0x3], $0x40, s31, s24, $0xb8;
	[tilespmem:$0x1CA00] =	vst v63  }
0xb8: {  	_ =	swait.ge [sflag:s20], $0x2000  }
0xb9: {  	[sflag:s20] =	ssyncset.done $0x0  }
0xba: {  	[sflag:s20] =	ssyncadd.s32 $0xFFFFE000  }
0xbb: {  	_ =	swait.ge [sflag:s17], $0x2000  }
0xbc: {  	s1 =	simm.s32 @!p0 $0x0;
	[sflag:s17] =	ssyncset.done $0x0  }
0xbd: {  	s4 =	simm.s32 @!p0 $0x13C00;
	s5 =	simm.s32 @!p0 $0x3;
	[sflag:s17] =	ssyncadd.s32 $0xFFFFE000  }
0xbe: {  	[tilespmem:s4], [sflag:$0x3] =	stream.linear.gather @!p0 [hbm4b:s12+s1], $0x80, $0x38;
	[tilespmem:$0x1CA00] =	vst v63  }
0xbf: {  	_ =	swait.ge @!p0 [sflag:s5], $0x80  }
0xc0: {  	[sflag:s5] =	ssyncset.done @!p0 $0x0  }
0xc1: {  	s18 =	simm.s32 @!p0 $0x16300;
	[sflag:s5] =	ssyncadd.s32 @!p0 $0xFFFFFF80  }
0xc2: {  	[tilespmem:s18], [sflag:$0x3] =	stream.linear.gather @!p0 [hbm4b:s13+s1], $0x80, $0x38;
	[tilespmem:$0x1CA00] =	vst v63  }
0xc3: {  	_ =	swait.ge @!p0 [sflag:s5], $0x80  }
0xc4: {  	[sflag:s5] =	ssyncset.done @!p0 $0x0  }
0xc5: {  	s19 =	simm.s32 @!p0 $0x18A00;
	s1 =	simm.s32 @!p0 $0x80;
	[sflag:s5] =	ssyncadd.s32 @!p0 $0xFFFFFF80  }
0xc6: {  	[tilespmem:s19], [sflag:$0x1] =	stream.indirect.gather @!p0 [spmem:s2], $0x40, s4, s1, $0xb8;
	[tilespmem:$0x1CA00] =	vst v63  }
0xc7: {  	s4 =	simm.s32 @!p0 $0x1  }
0xc8: {  	_ =	swait.ge @!p0 [sflag:s4], $0x2000  }
0xc9: {  	[sflag:s4] =	ssyncset.done @!p0 $0x0  }
0xca: {  	[sflag:s4] =	ssyncadd.s32 @!p0 $0xFFFFE000  }
0xcb: {  	[spmem:s3] =	stream.indirect.scatter.add.f32 @!p0 [tilespmem:s19], [sflag:$0x3], $0x40, s18, s1, $0xb8;
	[tilespmem:$0x1CA00] =	vst v63  }
0xcc: {  	_ =	swait.ge @!p0 [sflag:s5], $0x2000  }
0xcd: {  	s0 =	sadd.s32 $0x1, s0;
	[sflag:s5] =	ssyncset.done @!p0 $0x0  }
0xce: {  	p1 =	sne.s32 s0, s15;
	[sflag:s5] =	ssyncadd.s32 @!p0 $0xFFFFE000  }
.Ltmp2:
0xcf: {  	[bflag:$0x0] =	sbarrier.arrive $0xFFFF;
	(pc) =	sbr.rel @p1 .LBB2_1-.Ltmp2, $4  }
0xd0: {  	[hbm:s14], [sflag:s6] =	dma.local [spmem:s21], $0x13C0  }
0xd1: {  	_ =	swait.ge [sflag:s20], $0x13C0  }
0xd2: {  	[sflag:s20] =	ssyncset.done $0x0  }
0xd3: {  	[sflag:s20] =	ssyncadd.s32 $0xFFFFEC40  }
0xd4: {  	_ =	sfence.sel $0x180000  }
0xd5: {  	[bflag:$0x0] =	sbarrier.arrive $0xFFFF  }
0xd6: {  	_ =	strace $0x90000047  }
0xd7: {  	s0 =	stileid.u32;
	[bflag:$0x2] =	sbarrier.arrive $0xFFFF  }
0xd8: {  	p0 =	sne.s32 s0, $0x0;
	s0 =	rddreg [dreg:$0x4]  }
0xd9: {  	s0 =	sadd.s32 @!p0 $0x100000, s0  }
0xda: {  	[sflag:s0] =	ssyncadd.tile.s32 @!p0 $0x1;
	_ =	shalt  }
.Lfunc_end2:
_tile_overlayer_lowered:
.L_overlay_start_2:
0xdb: {  	(tag) =	ssettag $0x2  }
0xdc: {  	s0 =	rddreg [dreg:$0x0];
	s2 =	stileid.u32  }
0xdd: {  	s1 =	rddreg [dreg:$0x1];
	p0 =	sne.s32 s2, $0x0  }
0xde: {  	s3 =	rddreg [dreg:$0x2];
	[bflag:$0x3] =	sbarrier.arrive $0xFFFF;
	s2 =	simm.s32 @!p0 $0x1C03  }
0xdf: {  	[timem:s3], [sflag:s2] =	dma.local @!p0 [hbm:s0], s1  }
0xe0: {  	s0 =	simm.s32 @!p0 $0x3  }
0xe1: {  	_ =	swait.ge @!p0 [sflag:s0], s1  }
0xe2: {  	s1 =	ssub.s32 @!p0 $0x0, s1;
	[sflag:s0] =	ssyncset.done @!p0 $0x0  }
0xe3: {  	[sflag:s0] =	ssyncadd.s32 @!p0 s1  }
0xe4: {  	[bflag:$0x3] =	sbarrier.arrive $0xFFFF  }
0xe5: {  	_ =	shalt  }

// kernel: kernel.9.cloned.1.call-start
scs
__scs_entry_jumppad:
0x0: {  	(pc) =	sbr.rel $0x88, $3  }
0x1: {  	(tag) =	ssettag $0x0;
	lr =	simm.s32 $0x1  }
0x2: {  	[smem:$0x3F9D] =	sst lr;
	_ =	strace $0xD0000000  }
0x3: {  	_ = 	snop  }
0x4: {  	_ = 	snop  }
0x5: {  	_ = 	snop  }
0x6: {  	_ = 	snop  }
0x7: {  	_ = 	snop  }
__scs_overlays_trampoline_lowered:
0x8: {  	[smem:$0x3FAC] =	sst s0  }
0x9: {  	[smem:$0x3FAD] =	sst s1  }
0xa: {  	[smem:$0x3FAE] =	sst s2  }
0xb: {  	[smem:$0x3FAF] =	sst s3  }
0xc: {  	[smem:$0x3FB0] =	sst s4  }
0xd: {  	[smem:$0x3FB1] =	sst s5  }
0xe: {  	[smem:$0x3FB2] =	sst s6  }
0xf: {  	[smem:$0x3FB3] =	sst s7  }
0x10: {  	[smem:$0x3FB4] =	sst s8  }
0x11: {  	[smem:$0x3FB5] =	sst s9;
	s0 =	simm.s32 @!p0 $0x0  }
0x12: {  	s1 =	sld [smem:$0x3F9B];
	s0 =	simm.s32 @p0 $0x1  }
0x13: {  	[smem:$0x3FB6] =	sst s0;
	s0 =	simm.s32 @!p1 $0x0  }
0x14: {  	s2 =	sld [smem:$0x3F9A];
	s0 =	simm.s32 @p1 $0x1  }
0x15: {  	[smem:$0x3FB7] =	sst s0;
	s0 =	simm.s32 @!p2 $0x0  }
0x16: {  	s3 =	sld [smem:$0x3FDB];
	s0 =	simm.s32 @p2 $0x1  }
0x17: {  	s4 =	simm.s32 $0x1BF5;
	[smem:$0x3FB9] =	sst s0  }
0x18: {  	s0 =	sld [smem:$0x3F9C];
	_ =	swait.ge [sflag:s4], $0x0  }
0x19: {  	s7 =	sld [smem:$0x3F9D]  }
0x1a: {  	s8 =	sadd.s32 $0xFFFFE003, lr  }
0x1b: {  	s9 =	sadd.s32 $0xFFFFFEF7, lr;
	s5 =	simm.s32 $0xFFFFFFFF;
	p2 =	slt.u32 s8, $0xFFFFF086  }
0x1c: {  	p1 =	slt.u32 s9, $0xF7A;
	s5 =	simm.s32 @!p2 $0x0  }
0x1d: {  	s5 =	simm.s32 @p1 $0x1;
	p0 =	seq.s32 s7, s2  }
0x1e: {  	s7 =	smul.u32 @!p0 $0xF7A, s2;
	p2 =	seq.s32 @!p0 s5, $0x0  }
0x1f: {  	s9 =	smul.u32 $0xF7A, s1;
	s8 =	simm.s32 @!p0 $0x1BF5;
	p2 =	por !p2, p0  }
0x20: {  	[sflag:s8] =	ssyncset.s32 @!p0 $0xFFFFF086;
	s6 =	sadd.s32 @!p0 s3, s7;
	s7 =	simm.s32 @!p0 $0x108  }
0x21: {  	s3 =	sadd.s32 s3, s9;
	s6 =	sadd.s32 @!p0 $0x88, s6;
	s7 =	simm.s32 @p2 $0x1082  }
0x22: {  	[simem:s7], [sflag:s8] =	dma.local @!p0 [hbm:s6], $0xF7A  }
0x23: {  	s9 =	sor.u32 $0xD0000000, s2;
	s6 =	simm.s32 $0x108;
	_ =	swait.ge @!p0 [sflag:s8], $0x0  }
0x24: {  	s3 =	sadd.s32 $0x88, s3;
	s6 =	simm.s32 @!p1 $0x1082;
	[sflag:s4] =	ssyncset.s32 $0xFFFFF086  }
0x25: {  	[simem:s6], [sflag:s4] =	dma.local [hbm:s3], $0xF7A  }
0x26: {  	[smem:$0x3F9D] =	sst s1;
	(tag) =	ssettag s2;
	_ =	strace s9  }
0x27: {  	s1 =	sld [smem:$0x3FAD]  }
0x28: {  	s2 =	sld [smem:$0x3FAE]  }
0x29: {  	s4 =	sld [smem:$0x3FB0]  }
0x2a: {  	p0 =	seq.s32 s5, $0x0;
	s5 =	sld [smem:$0x3FB1]  }
0x2b: {  	s6 =	sld [smem:$0x3FB2]  }
0x2c: {  	s7 =	sld [smem:$0x3FB3]  }
0x2d: {  	s3 =	simm.s32 $0x108;
	s8 =	sld [smem:$0x3FB4]  }
0x2e: {  	s3 =	simm.s32 @!p0 $0x1082;
	s9 =	sld [smem:$0x3FB5]  }
0x2f: {  	lr =	sadd.s32 s0, s3;
	s0 =	sld [smem:$0x3FAC]  }
0x30: {  	s3 =	sld [smem:$0x3FAF]  }
0x31: {  	[smem:$0x3FB8] =	sst s10  }
0x32: {  	s10 =	sld [smem:$0x3FB6];
	_ =	sdelay $0x3  }
0x33: {  	p0 =	seq.s32 s10, $0x1;
	s10 =	sld [smem:$0x3FB8];
	_ =	sdelay $0x3  }
0x34: {  	[smem:$0x3FB8] =	sst s10  }
0x35: {  	s10 =	sld [smem:$0x3FB7];
	_ =	sdelay $0x3  }
0x36: {  	p1 =	seq.s32 s10, $0x1;
	s10 =	sld [smem:$0x3FB8];
	_ =	sdelay $0x3  }
0x37: {  	[smem:$0x3FB8] =	sst s10  }
0x38: {  	s10 =	sld [smem:$0x3FB9]  }
0x39: {  	_ = 	snop;
	(pc) =	sbr.ind lr, $3  }
0x3a: {  	_ = 	snop  }
0x3b: {  	_ = 	snop  }
0x3c: {  	p2 =	seq.s32 s10, $0x1;
	s10 =	sld [smem:$0x3FB8]  }
0x3d: {  	_ =	shalt  }
0x3e: {  	_ =	shalt  }
0x3f: {  	_ =	shalt  }
0x40: {  	_ =	shalt  }
0x41: {  	_ =	shalt  }
0x42: {  	_ =	shalt  }
0x43: {  	_ =	shalt  }
0x44: {  	_ =	shalt  }
0x45: {  	_ =	shalt  }
0x46: {  	_ =	shalt  }
0x47: {  	_ =	shalt  }
0x48: {  	_ =	shalt  }
0x49: {  	_ =	shalt  }
0x4a: {  	_ =	shalt  }
0x4b: {  	_ =	shalt  }
0x4c: {  	_ =	shalt  }
0x4d: {  	_ =	shalt  }
0x4e: {  	_ =	shalt  }
0x4f: {  	_ =	shalt  }
0x50: {  	_ =	shalt  }
0x51: {  	_ =	shalt  }
0x52: {  	_ =	shalt  }
0x53: {  	_ =	shalt  }
0x54: {  	_ =	shalt  }
0x55: {  	_ =	shalt  }
0x56: {  	_ =	shalt  }
0x57: {  	_ =	shalt  }
0x58: {  	_ =	shalt  }
0x59: {  	_ =	shalt  }
0x5a: {  	_ =	shalt  }
0x5b: {  	_ =	shalt  }
0x5c: {  	_ =	shalt  }
0x5d: {  	_ =	shalt  }
0x5e: {  	_ =	shalt  }
0x5f: {  	_ =	shalt  }
0x60: {  	_ =	shalt  }
0x61: {  	_ =	shalt  }
0x62: {  	_ =	shalt  }
0x63: {  	_ =	shalt  }
0x64: {  	_ =	shalt  }
0x65: {  	_ =	shalt  }
0x66: {  	_ =	shalt  }
0x67: {  	_ =	shalt  }
0x68: {  	_ =	shalt  }
0x69: {  	_ =	shalt  }
0x6a: {  	_ =	shalt  }
0x6b: {  	_ =	shalt  }
0x6c: {  	_ =	shalt  }
0x6d: {  	_ =	shalt  }
0x6e: {  	_ =	shalt  }
0x6f: {  	_ =	shalt  }
0x70: {  	_ =	shalt  }
0x71: {  	_ =	shalt  }
0x72: {  	_ =	shalt  }
0x73: {  	_ =	shalt  }
0x74: {  	_ =	shalt  }
0x75: {  	_ =	shalt  }
0x76: {  	_ =	shalt  }
0x77: {  	_ =	shalt  }
0x78: {  	_ =	shalt  }
0x79: {  	_ =	shalt  }
0x7a: {  	_ =	shalt  }
0x7b: {  	_ =	shalt  }
0x7c: {  	_ =	shalt  }
0x7d: {  	_ =	shalt  }
0x7e: {  	_ =	shalt  }
0x7f: {  	_ =	shalt  }
0x80: {  	_ =	shalt  }
0x81: {  	_ =	shalt  }
0x82: {  	_ =	shalt  }
0x83: {  	_ =	shalt  }
0x84: {  	_ =	shalt  }
0x85: {  	_ =	shalt  }
0x86: {  	_ =	shalt  }
0x87: {  	_ =	shalt  }
.Lfunc_end0:
.L_simem_size_0:
called_computation.1_lowered:
.L_overlay_start_0:
0x88: {  	s2 =	sld [smem:$0x3FD9]  }
0x89: {  	s3 =	sld [smem:$0x3FFE];
	_ =	sdelay $0x1  }
0x8a: {  	s1 =	srdreg.scid  }
0x8b: {  	s0 =	sand.u32 $0x1, s1  }
0x8c: {  	s17 =	sshll.u32 s0, $0xA;
	s2 =	sadd.s32 s3, s2  }
0x8d: {  	s2 =	sadd.s32 s2, s17  }
0x8e: {  	[smem:$0x3FC4] =	sst s2  }
0x8f: {  	_ = 	snop  }
0x90: {  	s2 =	sld [smem:$0x3FD0];
	(tm) =	ssettm $0x1  }
0x91: {  	s18 =	sld [smem:$0x3FFB];
	_ =	sdelay $0x3  }
0x92: {  	_ =	strace s18  }
0x93: {  	s3 =	sld [smem:$0x3FFC];
	_ =	sdelay $0x3  }
0x94: {  	_ =	strace s3  }
0x95: {  	s3 =	sld [smem:$0x3FFD];
	_ =	sdelay $0x3  }
0x96: {  	_ =	strace s3  }
0x97: {  	_ =	strace $0x8FFFFFFF  }
0x98: {  	s19 =	sld [smem:$0x3FDB];
	_ =	sdelay $0x1  }
0x99: {  	s4 =	simm.s32 $_scs_section_size  }
0x9a: {  	s5 =	simm.s32 $_size__tile_overlayer_lowered;
	s6 =	simm.s32 $_tile_overlayer_lowered  }
0x9b: {  	s22 =	simm.s32 $0x1BFF;
	s21 =	sshll.u32 s6, $0x1;
	s3 =	sadd.s32 s4, s19  }
0x9c: {  	s7 =	simm.s32 $0x0;
	s20 =	sshll.u32 s5, $0x1;
	s5 =	sadd.s32 s21, s3  }
0x9d: {  	[timem:s7], [sflag:s22] =	dma.local [hbm:s5], s20  }
0x9e: {  	_ =	swait.ge [sflag:s22], s20  }
0x9f: {  	s4 =	ssub.s32 $0x0, s20;
	[sflag:s22] =	ssyncset.done $0x0  }
0xa0: {  	[sflag:s22] =	ssyncadd.s32 s4;
	_ =	sdelay $0x1  }
0xa1: {  	s23 =	simm.s32 $0x1B8B  }
0xa2: {  	_ =	swait.ge [sflag:s23], $0x1  }
0xa3: {  	[sflag:s23] =	ssyncset.done $0x0  }
0xa4: {  	s25 =	simm.s32 $0x1B8E;
	s24 =	sld [smem:$0x3FFE];
	[sflag:s23] =	ssyncadd.s32 $0xFFFFFFFF  }
0xa5: {  	s26 =	simm.s32 $execute0_lowered;
	[smem:$0x3FD2] =	sst s25  }
0xa6: {  	s5 =	sshll.u32 s26, $0x1;
	_ =	strace $0x80000049;
	[dreg:$0x1] =	wrdreg $0xFFFFFFFF  }
0xa7: {  	s28 =	simm.s32 $_size_execute0_lowered;
	s3 =	sadd.s32 s3, s5;
	[dreg:$0x0] =	wrdreg $0x0  }
0xa8: {  	s5 =	sshll.u32 s28, $0x1;
	[dreg:$0x2] =	wrdreg s3  }
0xa9: {  	[dreg:$0x3] =	wrdreg s5  }
0xaa: {  	[dreg:$0x4] =	wrdreg $0xC0  }
0xab: {  	_ =	task [dreg:s7], $0x5FFFF  }
0xac: {  	[dreg:$0x1] =	wrdreg $0xFFFFFFFF  }
0xad: {  	[dreg:$0x0] =	wrdreg $0x60  }
0xae: {  	[dreg:$0x2] =	wrdreg s2  }
0xaf: {  	[dreg:$0x3] =	wrdreg s24  }
0xb0: {  	[dreg:$0x4] =	wrdreg $0x0  }
0xb1: {  	[dreg:$0x5] =	wrdreg $0x27800  }
0xb2: {  	[dreg:$0x6] =	wrdreg $0x9  }
0xb3: {  	_ =	task.clear_ibuf [dreg:s7], $0x7FFFF;
	_ =	strace $0x90000049  }
0xb4: {  	s29 =	simm.s32 $0x9;
	_ =	strace $0x8000004B  }
0xb5: {  	_ =	swait.ge [sflag:s29], $0x1  }
0xb6: {  	[sflag:s29] =	ssyncadd.s32 $0xFFFFFFFF  }
0xb7: {  	_ =	strace $0x9000004B  }
0xb8: {  	_ =	sfence  }
0xb9: {  	s30 =	sld [smem:$0x0];
	_ =	sdelay $0x2  }
0xba: {  	s31 =	sshll.u32 s1, $0xD;
	s1 =	sshrl.u32 s1, $0x2  }
0xbb: {  	s3 =	sand.u32 $0x4000, s31;
	s1 =	sadd.s32 s1, s30  }
0xbc: {  	s0 =	sor.u32 s3, s0;
	s1 =	sshll.u32 s1, $0x11  }
0xbd: {  	s0 =	sor.u32 s1, s0  }
0xbe: {  	s0 =	sadd.s32 $0x8F2B, s0  }
0xbf: {  	[sflag:s0] =	ssyncadd.remote.s32 $0x1  }
0xc0: {  	_ =	sfence.sel $0xFFFF  }
0xc1: {  	[dreg:$0x0] =	wrdreg $0xFFFFFFFF;
	(pc) =	sbr.abs _section_cstart, $3  }
0xc2: {  	[dreg:$0x1] =	wrdreg $0xFFFFFFFF  }
0xc3: {  	_ =	task.clear_ibuf [dreg:s7], $0x2FFFF;
	_ =	strace $0x9FFFFFFF  }
0xc4: {  	(tm) =	ssettm $0x7FFFFFFF  }
0xc5: {  	_ =	shalt  }
tec
execute0_lowered:
.L_overlay_start_1:
0x0: {  	(tag) =	ssettag $0x1  }
0x1: {  	s5 =	rddreg [dreg:$0x0]  }
0x2: {  	s6 =	rddreg [dreg:$0x1]  }
0x3: {  	s2 =	rddreg [dreg:$0x2]  }
0x4: {  	s3 =	rddreg [dreg:$0x3]  }
0x5: {  	s0 =	stileid.u32;
	s8 =	srdreg.scid  }
0x6: {  	s4 =	simm.s32 $0x0;
	s17 =	simm.s32 $0x4F00;
	s18 =	simm.s32 $0x7600  }
0x7: {  	s19 =	simm.s32 $0x80;
	s20 =	simm.s32 $0x9D00;
	s21 =	simm.s32 $0xA500  }
0x8: {  	s22 =	simm.s32 $0x1;
	s23 =	simm.s32 $0x2;
	s25 =	simm.s32 $0x9C00  }
0x9: {  	s26 =	simm.s32 $0x9C80;
	s28 =	simm.s32 $0x0;
	s7 =	smul.u32 $0x2780, s0  }
0xa: {  	s8 =	sand.u32 $0x1, s8;
	[smem:$0x7FF] =	sst s4;
	s11 =	sadd.s32 $0x1000, s6  }
0xb: {  	s30 =	sshll.u32 s0, $0x6;
	s31 =	sshll.u32 s0, $0x4;
	s10 =	smul.u32 $0x27800, s8  }
0xc: {  	_ =	strace $0x8000004A;
	s13 =	ssub.s32 $0x2, s8;
	s8 =	sshll.u32 s8, $0x4  }
0xd: {  	s9 =	sshrl.u32 s7, $0x3;
	s14 =	sshrl.u32 s13, $0x1;
	s24 =	sor.u32 s0, s8  }
0xe: {  	s29 =	sadd.s32 s7, s2;
	s16 =	sadd.s32 s7, s3;
	s12 =	sadd.s32 s9, s6  }
0xf: {  	s10 =	sadd.s32 s7, s10;
	s13 =	ssub.s32 s13, s14;
	s8 =	smul.u32 $0x2700, s24  }
0x10: {  	s5 =	sadd.s32 s5, s9;
	s14 =	sshrl.u32 s29, $0x3;
	s16 =	sshrl.u32 s16, $0x3  }
0x11: {  	p0 =	sgt.u32 s24, $0x3;
	s24 =	simm.s32 $0x7580;
	s10 =	sshrl.u32 s10, $0x3  }
0x12: {  	s13 =	smax.u32 s13, $0x1;
	s15 =	sadd.s32 s10, s6;
	s8 =	sshrl.u32 s8, $0x3  }
0x13: {  	s6 =	sor.u32 $0x1C03, s30;
	s7 =	sadd.s32 s11, s8;
	s11 =	sadd.s32 s31, s11  }
0x14: {  	s8 =	sadd.s32 $0x14A00, s12;
	s12 =	sadd.s32 $0x19A00, s15;
	s15 =	simm.s32 $0x3  }
0x15: {  	s9 =	sadd.s32 $0x9C40, s7;
	s10 =	sadd.s32 $0x9C00, s11;
	s11 =	sadd.s32 $0x13840, s11  }
.LBB2_1:
0x16: {  	[spmem:s14], [sflag:s6] =	dma.local [hbm:s5], $0x4F0  }
0x17: {  	_ =	swait.ge [sflag:s15], $0x4F0  }
0x18: {  	[sflag:s15] =	ssyncset.done $0x0  }
0x19: {  	[sflag:s15] =	ssyncadd.s32 $0xFFFFFB10  }
0x1a: {  	[spmem:s16], [sflag:s6] =	dma.local [hbm:s8], $0x4F0  }
0x1b: {  	_ =	swait.ge [sflag:s15], $0x4F0  }
0x1c: {  	[sflag:s15] =	ssyncset.done $0x0  }
0x1d: {  	[sflag:s15] =	ssyncadd.s32 $0xFFFFFB10  }
0x1e: {  	[tilespmem:s17], [sflag:$0x3] =	stream.linear.gather [hbm4b:s7+s4], $0x2700, $0x38;
	[tilespmem:$0xAD00] =	vst v63  }
0x1f: {  	_ =	swait.ge [sflag:s15], $0x2700  }
0x20: {  	[sflag:s15] =	ssyncset.done $0x0  }
0x21: {  	[sflag:s15] =	ssyncadd.s32 $0xFFFFD900  }
0x22: {  	[tilespmem:s18], [sflag:$0x3] =	stream.linear.gather [hbm4b:s9+s4], $0x2700, $0x38;
	[tilespmem:$0xAD00] =	vst v63  }
0x23: {  	_ =	swait.ge [sflag:s15], $0x2700  }
0x24: {  	[sflag:s15] =	ssyncset.done $0x0  }
0x25: {  	[sflag:s15] =	ssyncadd.s32 $0xFFFFD900  }
0x26: {  	[bflag:$0x0] =	sbarrier.arrive $0xFFFF  }
0x27: {  	[tilespmem:s20], [sflag:$0x1] =	stream.indirect.gather [spmem:s2], $0x10, s17, s19, $0xb8;
	[tilespmem:$0xAD00] =	vst v63  }
0x28: {  	s29 =	simm.s32 $0x4F80  }
0x29: {  	[tilespmem:s21], [sflag:$0x2] =	stream.indirect.gather [spmem:s2], $0x10, s29, s19, $0xb8;
	[tilespmem:$0xAD00] =	vst v63  }
0x2a: {  	_ =	swait.ge [sflag:s22], $0x800  }
0x2b: {  	[sflag:s22] =	ssyncset.done $0x0  }
0x2c: {  	s29 =	simm.s32 $0x7600;
	[sflag:s22] =	ssyncadd.s32 $0xFFFFF800  }
0x2d: {  	[spmem:s3] =	stream.indirect.scatter.add.f32 [tilespmem:s20], [sflag:$0x3], $0x10, s29, s19, $0xb8;
	[tilespmem:$0xAD00] =	vst v63  }
0x2e: {  	_ =	swait.ge [sflag:s15], $0x800  }
0x2f: {  	[sflag:s15] =	ssyncset.done $0x0  }
0x30: {  	s29 =	simm.s32 $0x5000;
	[sflag:s15] =	ssyncadd.s32 $0xFFFFF800  }
0x31: {  	[tilespmem:s20], [sflag:$0x1] =	stream.indirect.gather [spmem:s2], $0x10, s29, s19, $0xb8;
	[tilespmem:$0xAD00] =	vst v63  }
0x32: {  	_ =	swait.ge [sflag:s23], $0x800  }
0x33: {  	[sflag:s23] =	ssyncset.done $0x0  }
0x34: {  	s29 =	simm.s32 $0x7680;
	[sflag:s23] =	ssyncadd.s32 $0xFFFFF800  }
0x35: {  	[spmem:s3] =	stream.indirect.scatter.add.f32 [tilespmem:s21], [sflag:$0x3], $0x10, s29, s19, $0xb8;
	[tilespmem:$0xAD00] =	vst v63  }
0x36: {  	_ =	swait.ge [sflag:s15], $0x800  }
0x37: {  	s30 =	simm.s32 $0x800;
	s29 =	simm.s32 $0x100;
	[sflag:s15] =	ssyncset.done $0x0  }
.LBB2_2:
0x38: {  	s31 =	sadd.s32 $0x4F80, s29  }
0x39: {  	[sflag:s15] =	ssyncadd.s32 $0xFFFFF800;
	s1 =	smov.u32 s30;
	s0 =	sadd.s32 $0x400, s30  }
0x3a: {  	[tilespmem:s21], [sflag:$0x2] =	stream.indirect.gather [spmem:s2], $0x10, s31, s19, $0xb8;
	[tilespmem:$0xAD00] =	vst v63  }
0x3b: {  	p1 =	sne.s32 s30, $0x9400;
	_ =	swait.ge [sflag:s22], $0x800  }
0x3c: {  	[sflag:s22] =	ssyncset.done $0x0  }
0x3d: {  	s30 =	sadd.s32 $0x7600, s29;
	[sflag:s22] =	ssyncadd.s32 $0xFFFFF800  }
0x3e: {  	[spmem:s3] =	stream.indirect.scatter.add.f32 [tilespmem:s20], [sflag:$0x3], $0x10, s30, s19, $0xb8;
	[tilespmem:$0xAD00] =	vst v63  }
0x3f: {  	_ =	swait.ge [sflag:s15], $0x800  }
0x40: {  	[sflag:s15] =	ssyncset.done $0x0  }
0x41: {  	s30 =	sadd.s32 $0x5000, s29;
	[sflag:s15] =	ssyncadd.s32 $0xFFFFF800  }
0x42: {  	[tilespmem:s20], [sflag:$0x1] =	stream.indirect.gather [spmem:s2], $0x10, s30, s19, $0xb8;
	[tilespmem:$0xAD00] =	vst v63  }
0x43: {  	_ =	swait.ge [sflag:s23], $0x800  }
.Ltmp0:
0x44: {  	[sflag:s23] =	ssyncset.done $0x0;
	(pc) =	sbr.rel @p1 .LBB2_2-.Ltmp0, $4  }
0x45: {  	s29 =	sadd.s32 $0x7680, s29;
	[sflag:s23] =	ssyncadd.s32 $0xFFFFF800  }
0x46: {  	[spmem:s3] =	stream.indirect.scatter.add.f32 [tilespmem:s21], [sflag:$0x3], $0x10, s29, s19, $0xb8;
	[tilespmem:$0xAD00] =	vst v63  }
0x47: {  	_ =	swait.ge [sflag:s15], $0x800  }
0x48: {  	s30 =	smov.u32 s0;
	s29 =	sshra.s32 s1, $0x2;
	[sflag:s15] =	ssyncset.done $0x0  }
0x49: {  	s0 =	sadd.s32 $0x4F80, s29;
	[sflag:s15] =	ssyncadd.s32 $0xFFFFF800  }
0x4a: {  	[tilespmem:s21], [sflag:$0x2] =	stream.indirect.gather [spmem:s2], $0x10, s0, s19, $0xb8;
	[tilespmem:$0xAD00] =	vst v63  }
0x4b: {  	_ =	swait.ge [sflag:s22], $0x800  }
0x4c: {  	[sflag:s22] =	ssyncset.done $0x0  }
0x4d: {  	s1 =	sadd.s32 $0x7600, s29;
	[sflag:s22] =	ssyncadd.s32 $0xFFFFF800  }
0x4e: {  	[spmem:s3] =	stream.indirect.scatter.add.f32 [tilespmem:s20], [sflag:$0x3], $0x10, s1, s19, $0xb8;
	[tilespmem:$0xAD00] =	vst v63  }
0x4f: {  	_ =	swait.ge [sflag:s15], $0x800  }
0x50: {  	[sflag:s15] =	ssyncset.done $0x0  }
0x51: {  	s30 =	sadd.s32 $0x5000, s29;
	[sflag:s15] =	ssyncadd.s32 $0xFFFFF800  }
0x52: {  	[tilespmem:s20], [sflag:$0x1] =	stream.indirect.gather [spmem:s2], $0x10, s30, s19, $0xb8;
	[tilespmem:$0xAD00] =	vst v63  }
0x53: {  	_ =	swait.ge [sflag:s23], $0x800  }
0x54: {  	[sflag:s23] =	ssyncset.done $0x0  }
0x55: {  	s31 =	sadd.s32 $0x7680, s29;
	[sflag:s23] =	ssyncadd.s32 $0xFFFFF800  }
0x56: {  	[spmem:s3] =	stream.indirect.scatter.add.f32 [tilespmem:s21], [sflag:$0x3], $0x10, s31, s19, $0xb8;
	[tilespmem:$0xAD00] =	vst v63  }
0x57: {  	_ =	swait.ge [sflag:s15], $0x800  }
0x58: {  	[sflag:s15] =	ssyncset.done $0x0  }
0x59: {  	[sflag:s15] =	ssyncadd.s32 $0xFFFFF800  }
0x5a: {  	[tilespmem:s21], [sflag:$0x2] =	stream.indirect.gather [spmem:s2], $0x10, s24, s19, $0xb8;
	[tilespmem:$0xAD00] =	vst v63  }
0x5b: {  	_ =	swait.ge [sflag:s22], $0x800  }
0x5c: {  	[sflag:s22] =	ssyncset.done $0x0  }
0x5d: {  	[sflag:s22] =	ssyncadd.s32 $0xFFFFF800  }
0x5e: {  	[spmem:s3] =	stream.indirect.scatter.add.f32 [tilespmem:s20], [sflag:$0x3], $0x10, s25, s19, $0xb8;
	[tilespmem:$0xAD00] =	vst v63  }
0x5f: {  	_ =	swait.ge [sflag:s15], $0x800  }
0x60: {  	[sflag:s15] =	ssyncset.done $0x0  }
0x61: {  	[sflag:s15] =	ssyncadd.s32 $0xFFFFF800  }
0x62: {  	[tilespmem:s20], [sflag:$0x1] =	stream.indirect.gather [spmem:s2], $0x10, s24, s19, $0xb8;
	[tilespmem:$0xAD00] =	vst v63  }
0x63: {  	_ =	swait.ge [sflag:s23], $0x800  }
0x64: {  	[sflag:s23] =	ssyncset.done $0x0  }
0x65: {  	[sflag:s23] =	ssyncadd.s32 $0xFFFFF800  }
0x66: {  	[spmem:s3] =	stream.indirect.scatter.add.f32 [tilespmem:s21], [sflag:$0x3], $0x10, s26, s19, $0xb8;
	[tilespmem:$0xAD00] =	vst v63  }
0x67: {  	_ =	swait.ge [sflag:s15], $0x800  }
0x68: {  	[sflag:s15] =	ssyncset.done $0x0  }
0x69: {  	[sflag:s15] =	ssyncadd.s32 $0xFFFFF800  }
0x6a: {  	_ =	swait.ge [sflag:s22], $0x800  }
0x6b: {  	s29 =	simm.s32 @!p0 $0x3;
	[sflag:s22] =	ssyncset.done $0x0  }
0x6c: {  	s0 =	simm.s32 @!p0 $0x0;
	s1 =	simm.s32 @!p0 $0x4F00;
	[sflag:s22] =	ssyncadd.s32 $0xFFFFF800  }
0x6d: {  	[tilespmem:s1], [sflag:$0x3] =	stream.linear.gather @!p0 [hbm4b:s10+s0], $0x80, $0x38;
	[tilespmem:$0xAD00] =	vst v63  }
0x6e: {  	_ =	swait.ge @!p0 [sflag:s29], $0x80  }
0x6f: {  	[sflag:s29] =	ssyncset.done @!p0 $0x0  }
0x70: {  	s30 =	simm.s32 @!p0 $0x7600;
	[sflag:s29] =	ssyncadd.s32 @!p0 $0xFFFFFF80  }
0x71: {  	[tilespmem:s30], [sflag:$0x3] =	stream.linear.gather @!p0 [hbm4b:s11+s0], $0x80, $0x38;
	[tilespmem:$0xAD00] =	vst v63  }
0x72: {  	_ =	swait.ge @!p0 [sflag:s29], $0x80  }
0x73: {  	[sflag:s29] =	ssyncset.done @!p0 $0x0  }
0x74: {  	s31 =	simm.s32 @!p0 $0x9D00;
	s0 =	simm.s32 @!p0 $0x80;
	[sflag:s29] =	ssyncadd.s32 @!p0 $0xFFFFFF80  }
0x75: {  	[tilespmem:s31], [sflag:$0x1] =	stream.indirect.gather @!p0 [spmem:s2], $0x10, s1, s0, $0xb8;
	[tilespmem:$0xAD00] =	vst v63  }
0x76: {  	s1 =	simm.s32 @!p0 $0x1  }
0x77: {  	_ =	swait.ge @!p0 [sflag:s1], $0x800  }
0x78: {  	[sflag:s1] =	ssyncset.done @!p0 $0x0  }
0x79: {  	[sflag:s1] =	ssyncadd.s32 @!p0 $0xFFFFF800  }
0x7a: {  	[spmem:s3] =	stream.indirect.scatter.add.f32 @!p0 [tilespmem:s31], [sflag:$0x3], $0x10, s30, s0, $0xb8;
	[tilespmem:$0xAD00] =	vst v63  }
0x7b: {  	_ =	swait.ge @!p0 [sflag:s29], $0x800  }
0x7c: {  	s28 =	sadd.s32 $0x1, s28;
	[sflag:s29] =	ssyncset.done @!p0 $0x0  }
0x7d: {  	p1 =	sne.s32 s28, s13;
	[sflag:s29] =	ssyncadd.s32 @!p0 $0xFFFFF800  }
.Ltmp1:
0x7e: {  	[bflag:$0x0] =	sbarrier.arrive $0xFFFF;
	(pc) =	sbr.rel @p1 .LBB2_1-.Ltmp1, $4  }
0x7f: {  	[hbm:s12], [sflag:s6] =	dma.local [spmem:s16], $0x4F0  }
0x80: {  	_ =	swait.ge [sflag:s15], $0x4F0  }
0x81: {  	[sflag:s15] =	ssyncset.done $0x0  }
0x82: {  	[sflag:s15] =	ssyncadd.s32 $0xFFFFFB10  }
0x83: {  	_ =	sfence.sel $0x180000  }
0x84: {  	[bflag:$0x0] =	sbarrier.arrive $0xFFFF  }
0x85: {  	_ =	strace $0x9000004A  }
0x86: {  	s0 =	stileid.u32;
	[bflag:$0x2] =	sbarrier.arrive $0xFFFF  }
0x87: {  	p0 =	sne.s32 s0, $0x0;
	s0 =	rddreg [dreg:$0x4]  }
0x88: {  	s0 =	sadd.s32 @!p0 $0x100000, s0  }
0x89: {  	[sflag:s0] =	ssyncadd.tile.s32 @!p0 $0x1;
	_ =	shalt  }
.Lfunc_end2:
_tile_overlayer_lowered:
.L_overlay_start_2:
0x8a: {  	(tag) =	ssettag $0x2  }
0x8b: {  	s0 =	rddreg [dreg:$0x0];
	s2 =	stileid.u32  }
0x8c: {  	s1 =	rddreg [dreg:$0x1];
	p0 =	sne.s32 s2, $0x0  }
0x8d: {  	s3 =	rddreg [dreg:$0x2];
	[bflag:$0x3] =	sbarrier.arrive $0xFFFF;
	s2 =	simm.s32 @!p0 $0x1C03  }
0x8e: {  	[timem:s3], [sflag:s2] =	dma.local @!p0 [hbm:s0], s1  }
0x8f: {  	s0 =	simm.s32 @!p0 $0x3  }
0x90: {  	_ =	swait.ge @!p0 [sflag:s0], s1  }
0x91: {  	s1 =	ssub.s32 @!p0 $0x0, s1;
	[sflag:s0] =	ssyncset.done @!p0 $0x0  }
0x92: {  	[sflag:s0] =	ssyncadd.s32 @!p0 s1  }
0x93: {  	[bflag:$0x3] =	sbarrier.arrive $0xFFFF  }
0x94: {  	_ =	shalt  }

</sc_bundles>
